<compile_context>
chip_gen: v7x
topology: tpu7x:2x2x1
jax: 0.10.2.dev20260603
libtpu: 0.0.44.dev20260713+nightly
codegen_flags: <defaults>
</compile_context>

<pallas_src>
import functools

import jax
import jax.numpy as jnp
from jax import lax
from jax.experimental import pallas as pl
from jax.experimental.pallas import tpu as pltpu
from jax.experimental.pallas import tpu_sc as plsc

N = 10000
E = 320000
D = 128
DE = 16

NP_ = 10112
CH = 96
NTILES = 32
CPT = 106
CPT0 = 144
CPT1 = 68
EPT = CPT * CH
EP = NTILES * EPT
NCH = EP // CH
EPP = 327680
RPS = NP_ // 16

_mesh = plsc.VectorSubcoreMesh(
    core_axis_name="c", subcore_axis_name="s", num_cores=2, num_subcores=16
)


def _sc_body(h_hbm, p_hbm, src_hbm, dst_hbm, out_hbm, acc,
             sb0, sb1, db0, db1, g0, g1, p0, p1,
             semi0, semi1, semid0, semid1,
             semg0, semg1, semp0, semp1, semsc0, semsc1):
    c = lax.axis_index("c")
    s = lax.axis_index("s")
    wid = s * 2 + c
    cpt = jnp.where(c == 0, CPT0, CPT1)
    cbase = jnp.where(c == 0, s * CPT0, 16 * CPT0 + s * CPT1)

    zeros16 = jnp.zeros((16,), jnp.float32)

    @pl.loop(0, CH)
    def _(r):
        for cc in range(8):
            g0[r, pl.ds(cc * 16, 16)] = zeros16

    for t in range(RPS // CH):
        pltpu.sync_copy(g0, acc.at[pl.ds(s * RPS + t * CH, CH)])
    pltpu.sync_copy(g0.at[pl.ds(0, RPS % CH)],
                    acc.at[pl.ds(s * RPS + (RPS // CH) * CH, RPS % CH)])
    plsc.subcore_barrier()

    pltpu.async_copy(src_hbm.at[pl.ds(cbase, 1)], sb0, semi0)
    pltpu.async_copy(src_hbm.at[pl.ds(cbase + 1, 1)], sb1, semi1)
    pltpu.async_copy(dst_hbm.at[pl.ds(cbase, 1)], db0, semid0)
    pltpu.make_async_copy(src_hbm.at[pl.ds(cbase, 1)], sb0, semi0).wait()
    pltpu.async_copy(h_hbm.at[sb0.at[0]], g0, semg0)
    pltpu.async_copy(p_hbm.at[pl.ds(cbase * CH, CH)], p0, semp0)

    def step(j, sb_s, db_s, g_s, p_s, semi_s, semid_s, semg_s, semp_s,
             semsc_s, sb_o, db_o, g_o, p_o, semi_o, semid_o, semg_o,
             semp_o, semsc_o):
        pltpu.make_async_copy(h_hbm.at[sb_s.at[0]], g_s, semg_s).wait()
        j2 = jnp.minimum(j + 2, cpt - 1)
        pltpu.async_copy(src_hbm.at[pl.ds(cbase + j2, 1)], sb_s, semi_s)

        @pl.when(j > 0)
        def _():
            pltpu.make_async_copy(g_o, acc.at[db_o.at[0]], semsc_o).wait()
        j1 = jnp.minimum(j + 1, cpt - 1)
        pltpu.async_copy(dst_hbm.at[pl.ds(cbase + j1, 1)], db_o, semid_o)

        pltpu.make_async_copy(src_hbm.at[pl.ds(0, 1)], sb_o, semi_o).wait()
        pltpu.async_copy(h_hbm.at[sb_o.at[0]], g_o, semg_o)
        pltpu.async_copy(p_hbm.at[pl.ds((cbase + j1) * CH, CH)], p_o,
                         semp_o)

        pltpu.make_async_copy(p_hbm.at[pl.ds(0, CH)], p_s, semp_s).wait()
        @pl.loop(0, CH)
        def _(r):
            for cc in range(8):
                sl = pl.ds(cc * 16, 16)
                g_s[r, sl] = jnp.maximum(g_s[r, sl] + p_s[r, sl], 0.0)

        pltpu.make_async_copy(dst_hbm.at[pl.ds(0, 1)], db_s, semid_s).wait()
        pltpu.async_copy(g_s, acc.at[db_s.at[0]], semsc_s, add=True)

    @pl.loop(0, cpt // 2)
    def _(i):
        step(2 * i,
             sb0, db0, g0, p0, semi0, semid0, semg0, semp0, semsc0,
             sb1, db1, g1, p1, semi1, semid1, semg1, semp1, semsc1)
        step(2 * i + 1,
             sb1, db1, g1, p1, semi1, semid1, semg1, semp1, semsc1,
             sb0, db0, g0, p0, semi0, semid0, semg0, semp0, semsc0)

    pltpu.make_async_copy(h_hbm.at[sb0.at[0]], g0, semg0).wait()
    pltpu.make_async_copy(p_hbm.at[pl.ds(0, CH)], p0, semp0).wait()
    pltpu.make_async_copy(src_hbm.at[pl.ds(0, 1)], sb1, semi1).wait()
    pltpu.make_async_copy(dst_hbm.at[pl.ds(0, 1)], db0, semid0).wait()
    pltpu.make_async_copy(g1, acc.at[db1.at[0]], semsc1).wait()

    plsc.subcore_barrier()
    pltpu.sync_copy(acc.at[pl.ds(s * RPS, RPS)],
                    out_hbm.at[pl.ds(c * NP_ + s * RPS, RPS)])


_sc_aggregate = functools.partial(
    pl.kernel,
    out_type=jax.ShapeDtypeStruct((2 * NP_, D), jnp.float32),
    mesh=_mesh,
    scratch_types=[
        pltpu.VMEM_SHARED((NP_, D), jnp.float32),
        pltpu.VMEM((1, CH), jnp.int32),
        pltpu.VMEM((1, CH), jnp.int32),
        pltpu.VMEM((1, CH), jnp.int32),
        pltpu.VMEM((1, CH), jnp.int32),
        pltpu.VMEM((CH, D), jnp.float32),
        pltpu.VMEM((CH, D), jnp.float32),
        pltpu.VMEM((CH, D), jnp.float32),
        pltpu.VMEM((CH, D), jnp.float32),
        pltpu.SemaphoreType.DMA,
        pltpu.SemaphoreType.DMA,
        pltpu.SemaphoreType.DMA,
        pltpu.SemaphoreType.DMA,
        pltpu.SemaphoreType.DMA,
        pltpu.SemaphoreType.DMA,
        pltpu.SemaphoreType.DMA,
        pltpu.SemaphoreType.DMA,
        pltpu.SemaphoreType.DMA,
        pltpu.SemaphoreType.DMA,
    ],
)(_sc_body)


def _mm_body(x_ref, w_ref, o_ref):
    o_ref[...] = jax.lax.dot_general(
        x_ref[...], w_ref[...], (((1,), (0,)), ((), ())),
        preferred_element_type=jnp.float32)


def _mm_bias_body(x_ref, w_ref, b_ref, o_ref):
    o_ref[...] = jax.lax.dot_general(
        x_ref[...], w_ref[...], (((1,), (0,)), ((), ())),
        preferred_element_type=jnp.float32) + b_ref[...]


def _final_body(x_ref, a0_ref, a1_ref, wa_ref, wb_ref, b_ref, o_ref):
    agg = a0_ref[0] + a1_ref[0]
    acc = jax.lax.dot_general(
        x_ref[...], wa_ref[...], (((1,), (0,)), ((), ())),
        preferred_element_type=jnp.float32)
    acc += jax.lax.dot_general(
        agg, wb_ref[...], (((1,), (0,)), ((), ())),
        preferred_element_type=jnp.float32)
    o_ref[...] = jnp.maximum(acc + b_ref[...], 0.0)


def _tc_matmul(x, w, block_rows):
    m = x.shape[0]
    return pl.pallas_call(
        _mm_body,
        grid=(m // block_rows,),
        in_specs=[
            pl.BlockSpec((block_rows, x.shape[1]), lambda i: (i, 0)),
            pl.BlockSpec((w.shape[0], w.shape[1]), lambda i: (0, 0)),
        ],
        out_specs=pl.BlockSpec((block_rows, w.shape[1]), lambda i: (i, 0)),
        out_shape=jax.ShapeDtypeStruct((m, w.shape[1]), jnp.float32),
    )(x, w)


def _tc_p_matmul(ea, w, b, block_rows):
    last = E // block_rows - 1
    return pl.pallas_call(
        _mm_bias_body,
        grid=(EPP // block_rows,),
        in_specs=[
            pl.BlockSpec((block_rows, DE), lambda i: (jnp.minimum(i, last), 0)),
            pl.BlockSpec((DE, D), lambda i: (0, 0)),
            pl.BlockSpec((1, D), lambda i: (0, 0)),
        ],
        out_specs=pl.BlockSpec((block_rows, D), lambda i: (i, 0)),
        out_shape=jax.ShapeDtypeStruct((EPP, D), jnp.float32),
    )(ea, w, b)


def _tc_final(x_ap, partials3, wa, wb, b, block_rows):
    return pl.pallas_call(
        _final_body,
        grid=(N // block_rows,),
        in_specs=[
            pl.BlockSpec((block_rows, D), lambda i: (i, 0)),
            pl.BlockSpec((1, block_rows, D), lambda i: (0, i, 0)),
            pl.BlockSpec((1, block_rows, D), lambda i: (1, i, 0)),
            pl.BlockSpec((D, D), lambda i: (0, 0)),
            pl.BlockSpec((D, D), lambda i: (0, 0)),
            pl.BlockSpec((1, D), lambda i: (0, 0)),
        ],
        out_specs=pl.BlockSpec((block_rows, D), lambda i: (i, 0)),
        out_shape=jax.ShapeDtypeStruct((N, D), jnp.float32),
    )(x_ap, partials3, partials3, wa, wb, b)


def kernel(x_ue, x_ap, edge_index, edge_attr, W1, b1, W2, b2):
    src = edge_index[0].astype(jnp.int32)
    dst = edge_index[1].astype(jnp.int32)

    pad_e = EP - E
    src_p = jnp.concatenate([src, jnp.zeros((pad_e,), jnp.int32)])
    pad_dst = N + (jnp.arange(pad_e, dtype=jnp.int32) % (NP_ - N))
    dst_p = jnp.concatenate([dst, pad_dst])
    src2 = src_p.reshape(NCH, CH)
    dst2 = dst_p.reshape(NCH, CH)

    W1a, W1b = W1[:DE], W1[DE:]
    W2a, W2b = W2[:D], W2[D:]

    H = _tc_matmul(x_ue, W1b, 400)
    P = _tc_p_matmul(edge_attr, W1a, b1.reshape(1, D), 2560)
    partials = _sc_aggregate(H, P, src2, dst2)
    partials3 = partials.reshape(2, NP_, D)
    return _tc_final(x_ap, partials3, W2a, W2b, b2.reshape(1, D), 400)

# --- scband reference (transcript-rebuilt; emitter-appended) ---
"""Pipeline reference for scband-apconv-13915694039582 (READ-ONLY COPY).

The authoritative reference and input builder live on the scoring server;
editing this copy changes nothing except your own understanding.
"""

import jax, jax.numpy as jnp
import numpy as np

N = 10000
E = 320000
D = 128
DE = 16

def setup_inputs(seed: int = 0) -> dict:
    key = jax.random.key(seed)
    ks = jax.random.split(key, 8)
    x_ue = jax.random.normal(ks[0], (N, D), dtype=jnp.float32)
    x_ap = jax.random.normal(ks[1], (N, D), dtype=jnp.float32)
    edge_index = jax.random.randint(ks[2], (2, E), 0, N)
    edge_attr = jax.random.normal(ks[3], (E, DE), dtype=jnp.float32)
    # mlp1: Linear(DE + D -> D) + ReLU ; mlp2: Linear(2*D -> D) + ReLU
    W1 = jax.random.normal(ks[4], (DE + D, D), dtype=jnp.float32) * 0.05
    b1 = jnp.zeros((D,), dtype=jnp.float32)
    W2 = jax.random.normal(ks[5], (2 * D, D), dtype=jnp.float32) * 0.05
    b2 = jnp.zeros((D,), dtype=jnp.float32)
    return {"x_ue": x_ue, "x_ap": x_ap, "edge_index": edge_index, "edge_attr": edge_attr,
            "W1": W1, "b1": b1, "W2": W2, "b2": b2}

def reference(x_ue, x_ap, edge_index, edge_attr, W1, b1, W2, b2):
    # message_func: gather src UE features + edge features per UE2AP edge
    src = edge_index[0]
    dst = edge_index[1]
    neighbor_ue_features = jnp.take(x_ue, src, axis=0)            # [E, D]
    msg_in = jnp.concatenate([edge_attr, neighbor_ue_features], axis=-1)  # [E, DE+D]
    # reduce_func: mlp1 applied per message, then sum over incoming edges per AP
    ap_mlp_result = jax.nn.relu(msg_in @ W1 + b1)                 # [E, D]
    agg = jax.ops.segment_sum(ap_mlp_result, dst, num_segments=x_ap.shape[0])  # [N, D]
    # new AP feature: mlp2(concat(ap_hid, agg))
    new_ap_feat = jax.nn.relu(jnp.concatenate([x_ap, agg], axis=-1) @ W2 + b2)  # [N, D]
    return new_ap_feat

if __name__ == "__main__":
    import jax
    _d = setup_inputs()
    print(jax.jit(kernel)(*tuple(_d.values())))

</pallas_src>

<mosaic_0001>
#map = affine_map<(d0, d1) -> (0, 0)>
module attributes {stable_mosaic.version = 14 : i64} {
  func.func @_sc_body(%arg0: i32, %arg1: i32, %arg2: memref<10000x128xf32, #tpu.memory_space<hbm>>, %arg3: memref<327680x128xf32, #tpu.memory_space<hbm>>, %arg4: memref<3392x96xi32, #tpu.memory_space<hbm>>, %arg5: memref<3392x96xi32, #tpu.memory_space<hbm>>, %arg6: memref<20224x128xf32, #tpu.memory_space<hbm>>, %arg7: memref<10112x128xf32, #tpu.memory_space<vmem_shared>>, %arg8: memref<1x96xi32, #tpu.memory_space<vmem>>, %arg9: memref<1x96xi32, #tpu.memory_space<vmem>>, %arg10: memref<1x96xi32, #tpu.memory_space<vmem>>, %arg11: memref<1x96xi32, #tpu.memory_space<vmem>>, %arg12: memref<96x128xf32, #tpu.memory_space<vmem>>, %arg13: memref<96x128xf32, #tpu.memory_space<vmem>>, %arg14: memref<96x128xf32, #tpu.memory_space<vmem>>, %arg15: memref<96x128xf32, #tpu.memory_space<vmem>>, %arg16: memref<!tpu.dma_semaphore, #tpu.memory_space<semaphore_mem>>, %arg17: memref<!tpu.dma_semaphore, #tpu.memory_space<semaphore_mem>>, %arg18: memref<!tpu.dma_semaphore, #tpu.memory_space<semaphore_mem>>, %arg19: memref<!tpu.dma_semaphore, #tpu.memory_space<semaphore_mem>>, %arg20: memref<!tpu.dma_semaphore, #tpu.memory_space<semaphore_mem>>, %arg21: memref<!tpu.dma_semaphore, #tpu.memory_space<semaphore_mem>>, %arg22: memref<!tpu.dma_semaphore, #tpu.memory_space<semaphore_mem>>, %arg23: memref<!tpu.dma_semaphore, #tpu.memory_space<semaphore_mem>>, %arg24: memref<!tpu.dma_semaphore, #tpu.memory_space<semaphore_mem>>, %arg25: memref<!tpu.dma_semaphore, #tpu.memory_space<semaphore_mem>>) attributes {dimension_semantics = [#tpu.dimension_semantics<core_parallel>, #tpu.dimension_semantics<subcore_parallel>], iteration_bounds = array<i64: 2, 16>, scalar_prefetch = 0 : i64, scratch_operands = 19 : i64, tpu.core_type = #tpu.core_type<sc_vector_subcore>, window_params = [{transform_indices = #map}, {transform_indices = #map}, {transform_indices = #map}, {transform_indices = #map}, {transform_indices = #map}]} {
    %mul3A = arith.constant 2 : i32
    %mul3A_0 = arith.muli %arg1, %mul3A : i32
    %add3A = arith.addi %mul3A_0, %arg0 : i32
    %eq3A = arith.constant 0 : i32
    %eq3A_1 = arith.cmpi eq, %arg0, %eq3A : i32
    %jit3A = arith.constant 144 : i32
    %jit3A_2 = arith.constant 68 : i32
    %select_n3A = arith.select %eq3A_1, %jit3A, %jit3A_2 : i32
    %eq3A_3 = arith.constant 0 : i32
    %eq3A_4 = arith.cmpi eq, %arg0, %eq3A_3 : i32
    %mul3A_5 = arith.constant 144 : i32
    %mul3A_6 = arith.muli %arg1, %mul3A_5 : i32
    %mul3A_7 = arith.constant 68 : i32
    %mul3A_8 = arith.muli %arg1, %mul3A_7 : i32
    %add3A_9 = arith.constant 2304 : i32
    %add3A_10 = arith.addi %add3A_9, %mul3A_8 : i32
    %select_n3A_11 = arith.select %eq3A_4, %mul3A_6, %add3A_10 : i32
    %broadcast_in_dim3A = arith.constant 0.000000e+00 : f32
    %broadcast_in_dim3A_12 = vector.broadcast %broadcast_in_dim3A : f32 to vector<16xf32>
    %scan3A = arith.constant 0 : i32
    %scan3A_13 = arith.constant 96 : i32
    %scan3A_14 = arith.addi %scan3A, %scan3A_13 : i32
    %scan3A_15 = arith.constant 1 : i32
    scf.for %scan3A_150 = %scan3A to %scan3A_14 step %scan3A_15  : i32 {
      %mul3A_151 = arith.constant 1 : i32
      %mul3A_152 = arith.muli %scan3A_150, %mul3A_151 : i32
      %add3A_153 = arith.constant 0 : i32
      %add3A_154 = arith.addi %add3A_153, %mul3A_152 : i32
      %swap3A = arith.index_cast %add3A_154 : i32 to index
      %swap3A_155 = arith.constant 0 : index
      %swap3A_156 = tpu.vector_load %arg12[%swap3A, %swap3A_155] {strides = array<i32>} : memref<96x128xf32, #tpu.memory_space<vmem>>, vector<1x16xf32>,
      %swap3A_157 = vector.shape_cast %swap3A_156 : vector<1x16xf32> to vector<16xf32>
      %swap3A_158 = vector.shape_cast %broadcast_in_dim3A_12 : vector<16xf32> to vector<1x16xf32>
      tpu.vector_store %arg12[%swap3A, %swap3A_155], %swap3A_158 {strides = array<i32>} : memref<96x128xf32, #tpu.memory_space<vmem>>, vector<1x16xf32>,
      %swap3A_159 = arith.index_cast %add3A_154 : i32 to index
      %swap3A_160 = arith.constant 16 : index
      %swap3A_161 = tpu.vector_load %arg12[%swap3A_159, %swap3A_160] {strides = array<i32>} : memref<96x128xf32, #tpu.memory_space<vmem>>, vector<1x16xf32>,
      %swap3A_162 = vector.shape_cast %swap3A_161 : vector<1x16xf32> to vector<16xf32>
      %swap3A_163 = vector.shape_cast %broadcast_in_dim3A_12 : vector<16xf32> to vector<1x16xf32>
      tpu.vector_store %arg12[%swap3A_159, %swap3A_160], %swap3A_163 {strides = array<i32>} : memref<96x128xf32, #tpu.memory_space<vmem>>, vector<1x16xf32>,
      %swap3A_164 = arith.index_cast %add3A_154 : i32 to index
      %swap3A_165 = arith.constant 32 : index
      %swap3A_166 = tpu.vector_load %arg12[%swap3A_164, %swap3A_165] {strides = array<i32>} : memref<96x128xf32, #tpu.memory_space<vmem>>, vector<1x16xf32>,
      %swap3A_167 = vector.shape_cast %swap3A_166 : vector<1x16xf32> to vector<16xf32>
      %swap3A_168 = vector.shape_cast %broadcast_in_dim3A_12 : vector<16xf32> to vector<1x16xf32>
      tpu.vector_store %arg12[%swap3A_164, %swap3A_165], %swap3A_168 {strides = array<i32>} : memref<96x128xf32, #tpu.memory_space<vmem>>, vector<1x16xf32>,
      %swap3A_169 = arith.index_cast %add3A_154 : i32 to index
      %swap3A_170 = arith.constant 48 : index
      %swap3A_171 = tpu.vector_load %arg12[%swap3A_169, %swap3A_170] {strides = array<i32>} : memref<96x128xf32, #tpu.memory_space<vmem>>, vector<1x16xf32>,
      %swap3A_172 = vector.shape_cast %swap3A_171 : vector<1x16xf32> to vector<16xf32>
      %swap3A_173 = vector.shape_cast %broadcast_in_dim3A_12 : vector<16xf32> to vector<1x16xf32>
      tpu.vector_store %arg12[%swap3A_169, %swap3A_170], %swap3A_173 {strides = array<i32>} : memref<96x128xf32, #tpu.memory_space<vmem>>, vector<1x16xf32>,
      %swap3A_174 = arith.index_cast %add3A_154 : i32 to index
      %swap3A_175 = arith.constant 64 : index
      %swap3A_176 = tpu.vector_load %arg12[%swap3A_174, %swap3A_175] {strides = array<i32>} : memref<96x128xf32, #tpu.memory_space<vmem>>, vector<1x16xf32>,
      %swap3A_177 = vector.shape_cast %swap3A_176 : vector<1x16xf32> to vector<16xf32>
      %swap3A_178 = vector.shape_cast %broadcast_in_dim3A_12 : vector<16xf32> to vector<1x16xf32>
      tpu.vector_store %arg12[%swap3A_174, %swap3A_175], %swap3A_178 {strides = array<i32>} : memref<96x128xf32, #tpu.memory_space<vmem>>, vector<1x16xf32>,
      %swap3A_179 = arith.index_cast %add3A_154 : i32 to index
      %swap3A_180 = arith.constant 80 : index
      %swap3A_181 = tpu.vector_load %arg12[%swap3A_179, %swap3A_180] {strides = array<i32>} : memref<96x128xf32, #tpu.memory_space<vmem>>, vector<1x16xf32>,
      %swap3A_182 = vector.shape_cast %swap3A_181 : vector<1x16xf32> to vector<16xf32>
      %swap3A_183 = vector.shape_cast %broadcast_in_dim3A_12 : vector<16xf32> to vector<1x16xf32>
      tpu.vector_store %arg12[%swap3A_179, %swap3A_180], %swap3A_183 {strides = array<i32>} : memref<96x128xf32, #tpu.memory_space<vmem>>, vector<1x16xf32>,
      %swap3A_184 = arith.index_cast %add3A_154 : i32 to index
      %swap3A_185 = arith.constant 96 : index
      %swap3A_186 = tpu.vector_load %arg12[%swap3A_184, %swap3A_185] {strides = array<i32>} : memref<96x128xf32, #tpu.memory_space<vmem>>, vector<1x16xf32>,
      %swap3A_187 = vector.shape_cast %swap3A_186 : vector<1x16xf32> to vector<16xf32>
      %swap3A_188 = vector.shape_cast %broadcast_in_dim3A_12 : vector<16xf32> to vector<1x16xf32>
      tpu.vector_store %arg12[%swap3A_184, %swap3A_185], %swap3A_188 {strides = array<i32>} : memref<96x128xf32, #tpu.memory_space<vmem>>, vector<1x16xf32>,
      %swap3A_189 = arith.index_cast %add3A_154 : i32 to index
      %swap3A_190 = arith.constant 112 : index
      %swap3A_191 = tpu.vector_load %arg12[%swap3A_189, %swap3A_190] {strides = array<i32>} : memref<96x128xf32, #tpu.memory_space<vmem>>, vector<1x16xf32>,
      %swap3A_192 = vector.shape_cast %swap3A_191 : vector<1x16xf32> to vector<16xf32>
      %swap3A_193 = vector.shape_cast %broadcast_in_dim3A_12 : vector<16xf32> to vector<1x16xf32>
      tpu.vector_store %arg12[%swap3A_189, %swap3A_190], %swap3A_193 {strides = array<i32>} : memref<96x128xf32, #tpu.memory_space<vmem>>, vector<1x16xf32>,
    }
    %scan3A_16 = arith.constant 96 : i32
    %mul3A_17 = arith.constant 632 : i32
    %mul3A_18 = arith.muli %arg1, %mul3A_17 : i32
    %add3A_19 = arith.constant 0 : i32
    %add3A_20 = arith.addi %mul3A_18, %add3A_19 : i32
    "tpu.region"() ({
      %run_scoped3A = tpu.sem_alloc : memref<!tpu.dma_semaphore, #tpu.memory_space<semaphore_mem>>
      %dma_start3A_150 = arith.constant 0 : i32
      %dma_start3A_151 = tpu.memref_slice %arg7[%add3A_20, %dma_start3A_150] : memref<10112x128xf32, #tpu.memory_space<vmem_shared>> -> memref<96x128xf32, #tpu.memory_space<vmem_shared>>
      %dma_start3A_152 = arith.constant 0 : i32
      %dma_start3A_153 = tpu.memref_slice %arg7[%add3A_20, %dma_start3A_152] : memref<10112x128xf32, #tpu.memory_space<vmem_shared>> -> memref<96x128xf32, #tpu.memory_space<vmem_shared>>
      tpu.enqueue_dma source(%arg12 : memref<96x128xf32, #tpu.memory_space<vmem>>) target(%dma_start3A_153 : memref<96x128xf32, #tpu.memory_space<vmem_shared>>) target_semaphore(%run_scoped3A : memref<!tpu.dma_semaphore, #tpu.memory_space<semaphore_mem>>)
      %dma_wait3A_154 = arith.constant 0 : i32
      %dma_wait3A_155 = tpu.memref_slice %arg7[%add3A_20, %dma_wait3A_154] : memref<10112x128xf32, #tpu.memory_space<vmem_shared>> -> memref<96x128xf32, #tpu.memory_space<vmem_shared>>
      %dma_wait3A_156 = arith.constant 0 : i32
      %dma_wait3A_157 = tpu.memref_slice %arg7[%add3A_20, %dma_wait3A_156] : memref<10112x128xf32, #tpu.memory_space<vmem_shared>> -> memref<96x128xf32, #tpu.memory_space<vmem_shared>>
      tpu.wait_dma2 semaphore(%run_scoped3A : memref<!tpu.dma_semaphore, #tpu.memory_space<semaphore_mem>>) src(%arg12 : memref<96x128xf32, #tpu.memory_space<vmem>>) dst(%dma_wait3A_157 : memref<96x128xf32, #tpu.memory_space<vmem_shared>>)
      tpu.yield
    }) : () -> ()
    %mul3A_21 = arith.constant 632 : i32
    %mul3A_22 = arith.muli %arg1, %mul3A_21 : i32
    %add3A_23 = arith.constant 96 : i32
    %add3A_24 = arith.addi %mul3A_22, %add3A_23 : i32
    "tpu.region"() ({
      %run_scoped3A = tpu.sem_alloc : memref<!tpu.dma_semaphore, #tpu.memory_space<semaphore_mem>>
      %dma_start3A_150 = arith.constant 0 : i32
      %dma_start3A_151 = tpu.memref_slice %arg7[%add3A_24, %dma_start3A_150] : memref<10112x128xf32, #tpu.memory_space<vmem_shared>> -> memref<96x128xf32, #tpu.memory_space<vmem_shared>>
      %dma_start3A_152 = arith.constant 0 : i32
      %dma_start3A_153 = tpu.memref_slice %arg7[%add3A_24, %dma_start3A_152] : memref<10112x128xf32, #tpu.memory_space<vmem_shared>> -> memref<96x128xf32, #tpu.memory_space<vmem_shared>>
      tpu.enqueue_dma source(%arg12 : memref<96x128xf32, #tpu.memory_space<vmem>>) target(%dma_start3A_153 : memref<96x128xf32, #tpu.memory_space<vmem_shared>>) target_semaphore(%run_scoped3A : memref<!tpu.dma_semaphore, #tpu.memory_space<semaphore_mem>>)
      %dma_wait3A_154 = arith.constant 0 : i32
      %dma_wait3A_155 = tpu.memref_slice %arg7[%add3A_24, %dma_wait3A_154] : memref<10112x128xf32, #tpu.memory_space<vmem_shared>> -> memref<96x128xf32, #tpu.memory_space<vmem_shared>>
      %dma_wait3A_156 = arith.constant 0 : i32
      %dma_wait3A_157 = tpu.memref_slice %arg7[%add3A_24, %dma_wait3A_156] : memref<10112x128xf32, #tpu.memory_space<vmem_shared>> -> memref<96x128xf32, #tpu.memory_space<vmem_shared>>
      tpu.wait_dma2 semaphore(%run_scoped3A : memref<!tpu.dma_semaphore, #tpu.memory_space<semaphore_mem>>) src(%arg12 : memref<96x128xf32, #tpu.memory_space<vmem>>) dst(%dma_wait3A_157 : memref<96x128xf32, #tpu.memory_space<vmem_shared>>)
      tpu.yield
    }) : () -> ()
    %mul3A_25 = arith.constant 632 : i32
    %mul3A_26 = arith.muli %arg1, %mul3A_25 : i32
    %add3A_27 = arith.constant 192 : i32
    %add3A_28 = arith.addi %mul3A_26, %add3A_27 : i32
    "tpu.region"() ({
      %run_scoped3A = tpu.sem_alloc : memref<!tpu.dma_semaphore, #tpu.memory_space<semaphore_mem>>
      %dma_start3A_150 = arith.constant 0 : i32
      %dma_start3A_151 = tpu.memref_slice %arg7[%add3A_28, %dma_start3A_150] : memref<10112x128xf32, #tpu.memory_space<vmem_shared>> -> memref<96x128xf32, #tpu.memory_space<vmem_shared>>
      %dma_start3A_152 = arith.constant 0 : i32
      %dma_start3A_153 = tpu.memref_slice %arg7[%add3A_28, %dma_start3A_152] : memref<10112x128xf32, #tpu.memory_space<vmem_shared>> -> memref<96x128xf32, #tpu.memory_space<vmem_shared>>
      tpu.enqueue_dma source(%arg12 : memref<96x128xf32, #tpu.memory_space<vmem>>) target(%dma_start3A_153 : memref<96x128xf32, #tpu.memory_space<vmem_shared>>) target_semaphore(%run_scoped3A : memref<!tpu.dma_semaphore, #tpu.memory_space<semaphore_mem>>)
      %dma_wait3A_154 = arith.constant 0 : i32
      %dma_wait3A_155 = tpu.memref_slice %arg7[%add3A_28, %dma_wait3A_154] : memref<10112x128xf32, #tpu.memory_space<vmem_shared>> -> memref<96x128xf32, #tpu.memory_space<vmem_shared>>
      %dma_wait3A_156 = arith.constant 0 : i32
      %dma_wait3A_157 = tpu.memref_slice %arg7[%add3A_28, %dma_wait3A_156] : memref<10112x128xf32, #tpu.memory_space<vmem_shared>> -> memref<96x128xf32, #tpu.memory_space<vmem_shared>>
      tpu.wait_dma2 semaphore(%run_scoped3A : memref<!tpu.dma_semaphore, #tpu.memory_space<semaphore_mem>>) src(%arg12 : memref<96x128xf32, #tpu.memory_space<vmem>>) dst(%dma_wait3A_157 : memref<96x128xf32, #tpu.memory_space<vmem_shared>>)
      tpu.yield
    }) : () -> ()
    %mul3A_29 = arith.constant 632 : i32
    %mul3A_30 = arith.muli %arg1, %mul3A_29 : i32
    %add3A_31 = arith.constant 288 : i32
    %add3A_32 = arith.addi %mul3A_30, %add3A_31 : i32
    "tpu.region"() ({
      %run_scoped3A = tpu.sem_alloc : memref<!tpu.dma_semaphore, #tpu.memory_space<semaphore_mem>>
      %dma_start3A_150 = arith.constant 0 : i32
      %dma_start3A_151 = tpu.memref_slice %arg7[%add3A_32, %dma_start3A_150] : memref<10112x128xf32, #tpu.memory_space<vmem_shared>> -> memref<96x128xf32, #tpu.memory_space<vmem_shared>>
      %dma_start3A_152 = arith.constant 0 : i32
      %dma_start3A_153 = tpu.memref_slice %arg7[%add3A_32, %dma_start3A_152] : memref<10112x128xf32, #tpu.memory_space<vmem_shared>> -> memref<96x128xf32, #tpu.memory_space<vmem_shared>>
      tpu.enqueue_dma source(%arg12 : memref<96x128xf32, #tpu.memory_space<vmem>>) target(%dma_start3A_153 : memref<96x128xf32, #tpu.memory_space<vmem_shared>>) target_semaphore(%run_scoped3A : memref<!tpu.dma_semaphore, #tpu.memory_space<semaphore_mem>>)
      %dma_wait3A_154 = arith.constant 0 : i32
      %dma_wait3A_155 = tpu.memref_slice %arg7[%add3A_32, %dma_wait3A_154] : memref<10112x128xf32, #tpu.memory_space<vmem_shared>> -> memref<96x128xf32, #tpu.memory_space<vmem_shared>>
      %dma_wait3A_156 = arith.constant 0 : i32
      %dma_wait3A_157 = tpu.memref_slice %arg7[%add3A_32, %dma_wait3A_156] : memref<10112x128xf32, #tpu.memory_space<vmem_shared>> -> memref<96x128xf32, #tpu.memory_space<vmem_shared>>
      tpu.wait_dma2 semaphore(%run_scoped3A : memref<!tpu.dma_semaphore, #tpu.memory_space<semaphore_mem>>) src(%arg12 : memref<96x128xf32, #tpu.memory_space<vmem>>) dst(%dma_wait3A_157 : memref<96x128xf32, #tpu.memory_space<vmem_shared>>)
      tpu.yield
    }) : () -> ()
    %mul3A_33 = arith.constant 632 : i32
    %mul3A_34 = arith.muli %arg1, %mul3A_33 : i32
    %add3A_35 = arith.constant 384 : i32
    %add3A_36 = arith.addi %mul3A_34, %add3A_35 : i32
    "tpu.region"() ({
      %run_scoped3A = tpu.sem_alloc : memref<!tpu.dma_semaphore, #tpu.memory_space<semaphore_mem>>
      %dma_start3A_150 = arith.constant 0 : i32
      %dma_start3A_151 = tpu.memref_slice %arg7[%add3A_36, %dma_start3A_150] : memref<10112x128xf32, #tpu.memory_space<vmem_shared>> -> memref<96x128xf32, #tpu.memory_space<vmem_shared>>
      %dma_start3A_152 = arith.constant 0 : i32
      %dma_start3A_153 = tpu.memref_slice %arg7[%add3A_36, %dma_start3A_152] : memref<10112x128xf32, #tpu.memory_space<vmem_shared>> -> memref<96x128xf32, #tpu.memory_space<vmem_shared>>
      tpu.enqueue_dma source(%arg12 : memref<96x128xf32, #tpu.memory_space<vmem>>) target(%dma_start3A_153 : memref<96x128xf32, #tpu.memory_space<vmem_shared>>) target_semaphore(%run_scoped3A : memref<!tpu.dma_semaphore, #tpu.memory_space<semaphore_mem>>)
      %dma_wait3A_154 = arith.constant 0 : i32
      %dma_wait3A_155 = tpu.memref_slice %arg7[%add3A_36, %dma_wait3A_154] : memref<10112x128xf32, #tpu.memory_space<vmem_shared>> -> memref<96x128xf32, #tpu.memory_space<vmem_shared>>
      %dma_wait3A_156 = arith.constant 0 : i32
      %dma_wait3A_157 = tpu.memref_slice %arg7[%add3A_36, %dma_wait3A_156] : memref<10112x128xf32, #tpu.memory_space<vmem_shared>> -> memref<96x128xf32, #tpu.memory_space<vmem_shared>>
      tpu.wait_dma2 semaphore(%run_scoped3A : memref<!tpu.dma_semaphore, #tpu.memory_space<semaphore_mem>>) src(%arg12 : memref<96x128xf32, #tpu.memory_space<vmem>>) dst(%dma_wait3A_157 : memref<96x128xf32, #tpu.memory_space<vmem_shared>>)
      tpu.yield
    }) : () -> ()
    %mul3A_37 = arith.constant 632 : i32
    %mul3A_38 = arith.muli %arg1, %mul3A_37 : i32
    %add3A_39 = arith.constant 480 : i32
    %add3A_40 = arith.addi %mul3A_38, %add3A_39 : i32
    "tpu.region"() ({
      %run_scoped3A = tpu.sem_alloc : memref<!tpu.dma_semaphore, #tpu.memory_space<semaphore_mem>>
      %dma_start3A_150 = arith.constant 0 : i32
      %dma_start3A_151 = tpu.memref_slice %arg7[%add3A_40, %dma_start3A_150] : memref<10112x128xf32, #tpu.memory_space<vmem_shared>> -> memref<96x128xf32, #tpu.memory_space<vmem_shared>>
      %dma_start3A_152 = arith.constant 0 : i32
      %dma_start3A_153 = tpu.memref_slice %arg7[%add3A_40, %dma_start3A_152] : memref<10112x128xf32, #tpu.memory_space<vmem_shared>> -> memref<96x128xf32, #tpu.memory_space<vmem_shared>>
      tpu.enqueue_dma source(%arg12 : memref<96x128xf32, #tpu.memory_space<vmem>>) target(%dma_start3A_153 : memref<96x128xf32, #tpu.memory_space<vmem_shared>>) target_semaphore(%run_scoped3A : memref<!tpu.dma_semaphore, #tpu.memory_space<semaphore_mem>>)
      %dma_wait3A_154 = arith.constant 0 : i32
      %dma_wait3A_155 = tpu.memref_slice %arg7[%add3A_40, %dma_wait3A_154] : memref<10112x128xf32, #tpu.memory_space<vmem_shared>> -> memref<96x128xf32, #tpu.memory_space<vmem_shared>>
      %dma_wait3A_156 = arith.constant 0 : i32
      %dma_wait3A_157 = tpu.memref_slice %arg7[%add3A_40, %dma_wait3A_156] : memref<10112x128xf32, #tpu.memory_space<vmem_shared>> -> memref<96x128xf32, #tpu.memory_space<vmem_shared>>
      tpu.wait_dma2 semaphore(%run_scoped3A : memref<!tpu.dma_semaphore, #tpu.memory_space<semaphore_mem>>) src(%arg12 : memref<96x128xf32, #tpu.memory_space<vmem>>) dst(%dma_wait3A_157 : memref<96x128xf32, #tpu.memory_space<vmem_shared>>)
      tpu.yield
    }) : () -> ()
    %mul3A_41 = arith.constant 632 : i32
    %mul3A_42 = arith.muli %arg1, %mul3A_41 : i32
    %add3A_43 = arith.constant 576 : i32
    %add3A_44 = arith.addi %mul3A_42, %add3A_43 : i32
    "tpu.region"() ({
      %run_scoped3A = tpu.sem_alloc : memref<!tpu.dma_semaphore, #tpu.memory_space<semaphore_mem>>
      %dma_start3A_150 = arith.constant 0 : i32
      %dma_start3A_151 = arith.constant 0 : i32
      %dma_start3A_152 = tpu.memref_slice %arg12[%dma_start3A_150, %dma_start3A_151] : memref<96x128xf32, #tpu.memory_space<vmem>> -> memref<56x128xf32, #tpu.memory_space<vmem>>
      %dma_start3A_153 = arith.constant 0 : i32
      %dma_start3A_154 = tpu.memref_slice %arg7[%add3A_44, %dma_start3A_153] : memref<10112x128xf32, #tpu.memory_space<vmem_shared>> -> memref<56x128xf32, #tpu.memory_space<vmem_shared>>
      %dma_start3A_155 = arith.constant 0 : i32
      %dma_start3A_156 = tpu.memref_slice %arg7[%add3A_44, %dma_start3A_155] : memref<10112x128xf32, #tpu.memory_space<vmem_shared>> -> memref<56x128xf32, #tpu.memory_space<vmem_shared>>
      %dma_start3A_157 = arith.constant 0 : i32
      %dma_start3A_158 = arith.constant 0 : i32
      %dma_start3A_159 = tpu.memref_slice %arg12[%dma_start3A_157, %dma_start3A_158] : memref<96x128xf32, #tpu.memory_space<vmem>> -> memref<56x128xf32, #tpu.memory_space<vmem>>
      tpu.enqueue_dma source(%dma_start3A_159 : memref<56x128xf32, #tpu.memory_space<vmem>>) target(%dma_start3A_156 : memref<56x128xf32, #tpu.memory_space<vmem_shared>>) target_semaphore(%run_scoped3A : memref<!tpu.dma_semaphore, #tpu.memory_space<semaphore_mem>>)
      %dma_wait3A_160 = arith.constant 0 : i32
      %dma_wait3A_161 = arith.constant 0 : i32
      %dma_wait3A_162 = tpu.memref_slice %arg12[%dma_wait3A_160, %dma_wait3A_161] : memref<96x128xf32, #tpu.memory_space<vmem>> -> memref<56x128xf32, #tpu.memory_space<vmem>>
      %dma_wait3A_163 = arith.constant 0 : i32
      %dma_wait3A_164 = tpu.memref_slice %arg7[%add3A_44, %dma_wait3A_163] : memref<10112x128xf32, #tpu.memory_space<vmem_shared>> -> memref<56x128xf32, #tpu.memory_space<vmem_shared>>
      %dma_wait3A_165 = arith.constant 0 : i32
      %dma_wait3A_166 = tpu.memref_slice %arg7[%add3A_44, %dma_wait3A_165] : memref<10112x128xf32, #tpu.memory_space<vmem_shared>> -> memref<56x128xf32, #tpu.memory_space<vmem_shared>>
      %dma_wait3A_167 = arith.constant 0 : i32
      %dma_wait3A_168 = arith.constant 0 : i32
      %dma_wait3A_169 = tpu.memref_slice %arg12[%dma_wait3A_167, %dma_wait3A_168] : memref<96x128xf32, #tpu.memory_space<vmem>> -> memref<56x128xf32, #tpu.memory_space<vmem>>
      tpu.wait_dma2 semaphore(%run_scoped3A : memref<!tpu.dma_semaphore, #tpu.memory_space<semaphore_mem>>) src(%dma_wait3A_169 : memref<56x128xf32, #tpu.memory_space<vmem>>) dst(%dma_wait3A_166 : memref<56x128xf32, #tpu.memory_space<vmem_shared>>)
      tpu.yield
    }) : () -> ()
    %barrier3A = arith.constant 0 : index
    tpu.barrier barrier_id(%barrier3A)
    %dma_start3A = arith.constant 0 : i32
    %dma_start3A_45 = tpu.memref_slice %arg4[%select_n3A_11, %dma_start3A] : memref<3392x96xi32, #tpu.memory_space<hbm>> -> memref<1x96xi32, #tpu.memory_space<hbm>>
    %dma_start3A_46 = arith.constant 0 : i32
    %dma_start3A_47 = tpu.memref_slice %arg4[%select_n3A_11, %dma_start3A_46] : memref<3392x96xi32, #tpu.memory_space<hbm>> -> memref<1x96xi32, #tpu.memory_space<hbm>>
    tpu.enqueue_dma source(%dma_start3A_47 : memref<1x96xi32, #tpu.memory_space<hbm>>) target(%arg8 : memref<1x96xi32, #tpu.memory_space<vmem>>) target_semaphore(%arg16 : memref<!tpu.dma_semaphore, #tpu.memory_space<semaphore_mem>>)
    %add3A_48 = arith.constant 1 : i32
    %add3A_49 = arith.addi %select_n3A_11, %add3A_48 : i32
    %dma_start3A_50 = arith.constant 0 : i32
    %dma_start3A_51 = tpu.memref_slice %arg4[%add3A_49, %dma_start3A_50] : memref<3392x96xi32, #tpu.memory_space<hbm>> -> memref<1x96xi32, #tpu.memory_space<hbm>>
    %dma_start3A_52 = arith.constant 0 : i32
    %dma_start3A_53 = tpu.memref_slice %arg4[%add3A_49, %dma_start3A_52] : memref<3392x96xi32, #tpu.memory_space<hbm>> -> memref<1x96xi32, #tpu.memory_space<hbm>>
    tpu.enqueue_dma source(%dma_start3A_53 : memref<1x96xi32, #tpu.memory_space<hbm>>) target(%arg9 : memref<1x96xi32, #tpu.memory_space<vmem>>) target_semaphore(%arg17 : memref<!tpu.dma_semaphore, #tpu.memory_space<semaphore_mem>>)
    %dma_start3A_54 = arith.constant 0 : i32
    %dma_start3A_55 = tpu.memref_slice %arg5[%select_n3A_11, %dma_start3A_54] : memref<3392x96xi32, #tpu.memory_space<hbm>> -> memref<1x96xi32, #tpu.memory_space<hbm>>
    %dma_start3A_56 = arith.constant 0 : i32
    %dma_start3A_57 = tpu.memref_slice %arg5[%select_n3A_11, %dma_start3A_56] : memref<3392x96xi32, #tpu.memory_space<hbm>> -> memref<1x96xi32, #tpu.memory_space<hbm>>
    tpu.enqueue_dma source(%dma_start3A_57 : memref<1x96xi32, #tpu.memory_space<hbm>>) target(%arg10 : memref<1x96xi32, #tpu.memory_space<vmem>>) target_semaphore(%arg18 : memref<!tpu.dma_semaphore, #tpu.memory_space<semaphore_mem>>)
    %dma_wait3A = arith.constant 0 : i32
    %dma_wait3A_58 = tpu.memref_slice %arg4[%select_n3A_11, %dma_wait3A] : memref<3392x96xi32, #tpu.memory_space<hbm>> -> memref<1x96xi32, #tpu.memory_space<hbm>>
    %dma_wait3A_59 = arith.constant 0 : i32
    %dma_wait3A_60 = tpu.memref_slice %arg4[%select_n3A_11, %dma_wait3A_59] : memref<3392x96xi32, #tpu.memory_space<hbm>> -> memref<1x96xi32, #tpu.memory_space<hbm>>
    tpu.wait_dma2 semaphore(%arg16 : memref<!tpu.dma_semaphore, #tpu.memory_space<semaphore_mem>>) src(%dma_wait3A_60 : memref<1x96xi32, #tpu.memory_space<hbm>>) dst(%arg8 : memref<1x96xi32, #tpu.memory_space<vmem>>)
    %dma_start3A_61 = arith.constant 0 : i32
    %dma_start3A_62 = arith.constant 0 : i32
    %dma_start3A_63 = tpu.memref_slice %arg8[%dma_start3A_61, %dma_start3A_62] : memref<1x96xi32, #tpu.memory_space<vmem>> -> memref<1x96xi32, #tpu.memory_space<vmem>>
    %dma_start3A_64 = tpu.memref_squeeze %dma_start3A_63 : memref<1x96xi32, #tpu.memory_space<vmem>> -> memref<96xi32, #tpu.memory_space<vmem>>
    %dma_start3A_65 = arith.constant 0 : i32
    %dma_start3A_66 = arith.constant 0 : i32
    %dma_start3A_67 = tpu.memref_slice %arg2[%dma_start3A_65, %dma_start3A_66] : memref<10000x128xf32, #tpu.memory_space<hbm>> -> memref<10000x128xf32, #tpu.memory_space<hbm>>
    tpu.enqueue_indirect_dma source(%dma_start3A_67 : memref<10000x128xf32, #tpu.memory_space<hbm>>) target(%arg12 : memref<96x128xf32, #tpu.memory_space<vmem>>) offsets(%dma_start3A_64 : memref<96xi32, #tpu.memory_space<vmem>>) semaphore(%arg20 : memref<!tpu.dma_semaphore, #tpu.memory_space<semaphore_mem>>)
    %mul3A_68 = arith.constant 96 : i32
    %mul3A_69 = arith.muli %select_n3A_11, %mul3A_68 : i32
    %dma_start3A_70 = arith.constant 0 : i32
    %dma_start3A_71 = tpu.memref_slice %arg3[%mul3A_69, %dma_start3A_70] : memref<327680x128xf32, #tpu.memory_space<hbm>> -> memref<96x128xf32, #tpu.memory_space<hbm>>
    %dma_start3A_72 = arith.constant 0 : i32
    %dma_start3A_73 = tpu.memref_slice %arg3[%mul3A_69, %dma_start3A_72] : memref<327680x128xf32, #tpu.memory_space<hbm>> -> memref<96x128xf32, #tpu.memory_space<hbm>>
    tpu.enqueue_dma source(%dma_start3A_73 : memref<96x128xf32, #tpu.memory_space<hbm>>) target(%arg14 : memref<96x128xf32, #tpu.memory_space<vmem>>) target_semaphore(%arg22 : memref<!tpu.dma_semaphore, #tpu.memory_space<semaphore_mem>>)
    %jit3A_74 = arith.constant 2 : i32
    %div3A = arith.divsi %select_n3A, %jit3A_74 : i32
    %sign3A = arith.constant 0 : i32
    %sign3A_75 = arith.cmpi sgt, %select_n3A, %sign3A : i32
    %sign3A_76 = arith.extui %sign3A_75 : i1 to i32
    %sign3A_77 = arith.constant 0 : i32
    %sign3A_78 = arith.cmpi slt, %select_n3A, %sign3A_77 : i32
    %sign3A_79 = arith.extui %sign3A_78 : i1 to i32
    %sign3A_80 = arith.subi %sign3A_76, %sign3A_79 : i32
    %sign3A_81 = arith.constant 0 : i32
    %sign3A_82 = arith.cmpi sgt, %jit3A_74, %sign3A_81 : i32
    %sign3A_83 = arith.extui %sign3A_82 : i1 to i32
    %sign3A_84 = arith.constant 0 : i32
    %sign3A_85 = arith.cmpi slt, %jit3A_74, %sign3A_84 : i32
    %sign3A_86 = arith.extui %sign3A_85 : i1 to i32
    %sign3A_87 = arith.subi %sign3A_83, %sign3A_86 : i32
    %ne3A = arith.cmpi ne, %sign3A_80, %sign3A_87 : i32
    %rem3A = arith.remsi %select_n3A, %jit3A_74 : i32
    %ne3A_88 = arith.constant 0 : i32
    %ne3A_89 = arith.cmpi ne, %rem3A, %ne3A_88 : i32
    %and3A = arith.andi %ne3A, %ne3A_89 : i1
    %sub3A = arith.constant 1 : i32
    %sub3A_90 = arith.subi %div3A, %sub3A : i32
    %select_n3A_91 = arith.select %and3A, %sub3A_90, %div3A : i32
    %sub3A_92 = arith.constant 0 : i32
    %sub3A_93 = arith.subi %select_n3A_91, %sub3A_92 : i32
    %sub3A_94 = arith.constant 1 : i32
    %sub3A_95 = arith.constant 1 : i32
    %sub3A_96 = arith.subi %sub3A_94, %sub3A_95 : i32
    %add3A_97 = arith.addi %sub3A_93, %sub3A_96 : i32
    %div3A_98 = arith.constant 1 : i32
    %div3A_99 = arith.divsi %add3A_97, %div3A_98 : i32
    %while3A = arith.constant 1 : i32
    %while3A_100 = arith.constant 0 : i32
    %while3A_101 = arith.constant 0 : i32
    %while3A_102 = arith.subi %div3A_99, %while3A_101 : i32
    %while3A_103 = arith.addi %while3A_101, %while3A_102 : i32
    %while3A_104 = arith.constant 1 : i32
    %while3A_105 = arith.divsi %while3A_102, %while3A_104 : i32
    %while3A_106 = arith.muli %while3A_105, %while3A_104 : i32
    %while3A_107 = arith.addi %while3A_101, %while3A_106 : i32
    %while3A_108 = arith.constant 1 : i32
    scf.for %while3A_150 = %while3A_101 to %while3A_107 step %while3A_108  : i32 {
      %mul3A_151 = arith.muli %while3A_150, %while3A : i32
      %add3A_152 = arith.addi %while3A_100, %mul3A_151 : i32
      %mul3A_153 = arith.constant 2 : i32
      %mul3A_154 = arith.muli %mul3A_153, %add3A_152 : i32
      %dma_wait3A_155 = arith.constant 0 : i32
      %dma_wait3A_156 = arith.constant 0 : i32
      %dma_wait3A_157 = tpu.memref_slice %arg8[%dma_wait3A_155, %dma_wait3A_156] : memref<1x96xi32, #tpu.memory_space<vmem>> -> memref<1x96xi32, #tpu.memory_space<vmem>>
      %dma_wait3A_158 = tpu.memref_squeeze %dma_wait3A_157 : memref<1x96xi32, #tpu.memory_space<vmem>> -> memref<96xi32, #tpu.memory_space<vmem>>
      %dma_wait3A_159 = arith.constant 0 : i32
      %dma_wait3A_160 = arith.constant 0 : i32
      %dma_wait3A_161 = tpu.memref_slice %arg2[%dma_wait3A_159, %dma_wait3A_160] : memref<10000x128xf32, #tpu.memory_space<hbm>> -> memref<10000x128xf32, #tpu.memory_space<hbm>>
      tpu.wait_indirect_dma semaphore(%arg20 : memref<!tpu.dma_semaphore, #tpu.memory_space<semaphore_mem>>) src(%dma_wait3A_161 : memref<10000x128xf32, #tpu.memory_space<hbm>>) dst(%arg12 : memref<96x128xf32, #tpu.memory_space<vmem>>)
      %add3A_162 = arith.constant 2 : i32
      %add3A_163 = arith.addi %mul3A_154, %add3A_162 : i32
      %sub3A_164 = arith.constant 1 : i32
      %sub3A_165 = arith.subi %select_n3A, %sub3A_164 : i32
      %min3A = arith.minsi %add3A_163, %sub3A_165 : i32
      %add3A_166 = arith.addi %select_n3A_11, %min3A : i32
      %dma_start3A_167 = arith.constant 0 : i32
      %dma_start3A_168 = tpu.memref_slice %arg4[%add3A_166, %dma_start3A_167] : memref<3392x96xi32, #tpu.memory_space<hbm>> -> memref<1x96xi32, #tpu.memory_space<hbm>>
      %dma_start3A_169 = arith.constant 0 : i32
      %dma_start3A_170 = tpu.memref_slice %arg4[%add3A_166, %dma_start3A_169] : memref<3392x96xi32, #tpu.memory_space<hbm>> -> memref<1x96xi32, #tpu.memory_space<hbm>>
      tpu.enqueue_dma source(%dma_start3A_170 : memref<1x96xi32, #tpu.memory_space<hbm>>) target(%arg8 : memref<1x96xi32, #tpu.memory_space<vmem>>) target_semaphore(%arg16 : memref<!tpu.dma_semaphore, #tpu.memory_space<semaphore_mem>>)
      %gt3A = arith.constant 0 : i32
      %gt3A_171 = arith.cmpi sgt, %mul3A_154, %gt3A : i32
      %convert_element_type3A = arith.extui %gt3A_171 : i1 to i32
      %cond3A = arith.constant 0 : i32
      %cond3A_172 = arith.cmpi ne, %convert_element_type3A, %cond3A : i32
      scf.if %cond3A_172 {
        %dma_wait3A_307 = arith.constant 0 : i32
        %dma_wait3A_308 = arith.constant 0 : i32
        %dma_wait3A_309 = tpu.memref_slice %arg11[%dma_wait3A_307, %dma_wait3A_308] : memref<1x96xi32, #tpu.memory_space<vmem>> -> memref<1x96xi32, #tpu.memory_space<vmem>>
        %dma_wait3A_310 = tpu.memref_squeeze %dma_wait3A_309 : memref<1x96xi32, #tpu.memory_space<vmem>> -> memref<96xi32, #tpu.memory_space<vmem>>
        %dma_wait3A_311 = arith.constant 0 : i32
        %dma_wait3A_312 = arith.constant 0 : i32
        %dma_wait3A_313 = tpu.memref_slice %arg7[%dma_wait3A_311, %dma_wait3A_312] : memref<10112x128xf32, #tpu.memory_space<vmem_shared>> -> memref<10112x128xf32, #tpu.memory_space<vmem_shared>>
        tpu.wait_indirect_dma semaphore(%arg25 : memref<!tpu.dma_semaphore, #tpu.memory_space<semaphore_mem>>) src(%arg13 : memref<96x128xf32, #tpu.memory_space<vmem>>) dst(%dma_wait3A_313 : memref<10112x128xf32, #tpu.memory_space<vmem_shared>>)
      } else {
      }
      %add3A_173 = arith.constant 1 : i32
      %add3A_174 = arith.addi %mul3A_154, %add3A_173 : i32
      %sub3A_175 = arith.constant 1 : i32
      %sub3A_176 = arith.subi %select_n3A, %sub3A_175 : i32
      %min3A_177 = arith.minsi %add3A_174, %sub3A_176 : i32
      %add3A_178 = arith.addi %select_n3A_11, %min3A_177 : i32
      %dma_start3A_179 = arith.constant 0 : i32
      %dma_start3A_180 = tpu.memref_slice %arg5[%add3A_178, %dma_start3A_179] : memref<3392x96xi32, #tpu.memory_space<hbm>> -> memref<1x96xi32, #tpu.memory_space<hbm>>
      %dma_start3A_181 = arith.constant 0 : i32
      %dma_start3A_182 = tpu.memref_slice %arg5[%add3A_178, %dma_start3A_181] : memref<3392x96xi32, #tpu.memory_space<hbm>> -> memref<1x96xi32, #tpu.memory_space<hbm>>
      tpu.enqueue_dma source(%dma_start3A_182 : memref<1x96xi32, #tpu.memory_space<hbm>>) target(%arg11 : memref<1x96xi32, #tpu.memory_space<vmem>>) target_semaphore(%arg19 : memref<!tpu.dma_semaphore, #tpu.memory_space<semaphore_mem>>)
      %dma_wait3A_183 = arith.constant 0 : i32
      %dma_wait3A_184 = arith.constant 0 : i32
      %dma_wait3A_185 = tpu.memref_slice %arg4[%dma_wait3A_183, %dma_wait3A_184] : memref<3392x96xi32, #tpu.memory_space<hbm>> -> memref<1x96xi32, #tpu.memory_space<hbm>>
      %dma_wait3A_186 = arith.constant 0 : i32
      %dma_wait3A_187 = arith.constant 0 : i32
      %dma_wait3A_188 = tpu.memref_slice %arg4[%dma_wait3A_186, %dma_wait3A_187] : memref<3392x96xi32, #tpu.memory_space<hbm>> -> memref<1x96xi32, #tpu.memory_space<hbm>>
      tpu.wait_dma2 semaphore(%arg17 : memref<!tpu.dma_semaphore, #tpu.memory_space<semaphore_mem>>) src(%dma_wait3A_188 : memref<1x96xi32, #tpu.memory_space<hbm>>) dst(%arg9 : memref<1x96xi32, #tpu.memory_space<vmem>>)
      %dma_start3A_189 = arith.constant 0 : i32
      %dma_start3A_190 = arith.constant 0 : i32
      %dma_start3A_191 = tpu.memref_slice %arg9[%dma_start3A_189, %dma_start3A_190] : memref<1x96xi32, #tpu.memory_space<vmem>> -> memref<1x96xi32, #tpu.memory_space<vmem>>
      %dma_start3A_192 = tpu.memref_squeeze %dma_start3A_191 : memref<1x96xi32, #tpu.memory_space<vmem>> -> memref<96xi32, #tpu.memory_space<vmem>>
      %dma_start3A_193 = arith.constant 0 : i32
      %dma_start3A_194 = arith.constant 0 : i32
      %dma_start3A_195 = tpu.memref_slice %arg2[%dma_start3A_193, %dma_start3A_194] : memref<10000x128xf32, #tpu.memory_space<hbm>> -> memref<10000x128xf32, #tpu.memory_space<hbm>>
      tpu.enqueue_indirect_dma source(%dma_start3A_195 : memref<10000x128xf32, #tpu.memory_space<hbm>>) target(%arg13 : memref<96x128xf32, #tpu.memory_space<vmem>>) offsets(%dma_start3A_192 : memref<96xi32, #tpu.memory_space<vmem>>) semaphore(%arg21 : memref<!tpu.dma_semaphore, #tpu.memory_space<semaphore_mem>>)
      %add3A_196 = arith.addi %select_n3A_11, %min3A_177 : i32
      %mul3A_197 = arith.constant 96 : i32
      %mul3A_198 = arith.muli %add3A_196, %mul3A_197 : i32
      %dma_start3A_199 = arith.constant 0 : i32
      %dma_start3A_200 = tpu.memref_slice %arg3[%mul3A_198, %dma_start3A_199] : memref<327680x128xf32, #tpu.memory_space<hbm>> -> memref<96x128xf32, #tpu.memory_space<hbm>>
      %dma_start3A_201 = arith.constant 0 : i32
      %dma_start3A_202 = tpu.memref_slice %arg3[%mul3A_198, %dma_start3A_201] : memref<327680x128xf32, #tpu.memory_space<hbm>> -> memref<96x128xf32, #tpu.memory_space<hbm>>
      tpu.enqueue_dma source(%dma_start3A_202 : memref<96x128xf32, #tpu.memory_space<hbm>>) target(%arg15 : memref<96x128xf32, #tpu.memory_space<vmem>>) target_semaphore(%arg23 : memref<!tpu.dma_semaphore, #tpu.memory_space<semaphore_mem>>)
      %dma_wait3A_203 = arith.constant 0 : i32
      %dma_wait3A_204 = arith.constant 0 : i32
      %dma_wait3A_205 = tpu.memref_slice %arg3[%dma_wait3A_203, %dma_wait3A_204] : memref<327680x128xf32, #tpu.memory_space<hbm>> -> memref<96x128xf32, #tpu.memory_space<hbm>>
      %dma_wait3A_206 = arith.constant 0 : i32
      %dma_wait3A_207 = arith.constant 0 : i32
      %dma_wait3A_208 = tpu.memref_slice %arg3[%dma_wait3A_206, %dma_wait3A_207] : memref<327680x128xf32, #tpu.memory_space<hbm>> -> memref<96x128xf32, #tpu.memory_space<hbm>>
      tpu.wait_dma2 semaphore(%arg22 : memref<!tpu.dma_semaphore, #tpu.memory_space<semaphore_mem>>) src(%dma_wait3A_208 : memref<96x128xf32, #tpu.memory_space<hbm>>) dst(%arg14 : memref<96x128xf32, #tpu.memory_space<vmem>>)
      %scan3A_209 = arith.constant 0 : i32
      %scan3A_210 = arith.constant 96 : i32
      %scan3A_211 = arith.addi %scan3A_209, %scan3A_210 : i32
      %scan3A_212 = arith.constant 1 : i32
      scf.for %scan3A_307 = %scan3A_209 to %scan3A_211 step %scan3A_212  : i32 {
        %mul3A_308 = arith.constant 1 : i32
        %mul3A_309 = arith.muli %scan3A_307, %mul3A_308 : i32
        %add3A_310 = arith.constant 0 : i32
        %add3A_311 = arith.addi %add3A_310, %mul3A_309 : i32
        %get3A = arith.index_cast %add3A_311 : i32 to index
        %get3A_312 = arith.constant 0 : index
        %get3A_313 = tpu.vector_load %arg12[%get3A, %get3A_312] {strides = array<i32>} : memref<96x128xf32, #tpu.memory_space<vmem>>, vector<1x16xf32>,
        %get3A_314 = vector.shape_cast %get3A_313 : vector<1x16xf32> to vector<16xf32>
        %get3A_315 = arith.index_cast %add3A_311 : i32 to index
        %get3A_316 = arith.constant 0 : index
        %get3A_317 = tpu.vector_load %arg14[%get3A_315, %get3A_316] {strides = array<i32>} : memref<96x128xf32, #tpu.memory_space<vmem>>, vector<1x16xf32>,
        %get3A_318 = vector.shape_cast %get3A_317 : vector<1x16xf32> to vector<16xf32>
        %add3A_319 = arith.addf %get3A_314, %get3A_318 : vector<16xf32>
        %max3A = arith.constant 0.000000e+00 : f32
        %max3A_320 = vector.broadcast %max3A : f32 to vector<16xf32>
        %max3A_321 = arith.maximumf %add3A_319, %max3A_320 : vector<16xf32>
        %swap3A = arith.index_cast %add3A_311 : i32 to index
        %swap3A_322 = arith.constant 0 : index
        %swap3A_323 = tpu.vector_load %arg12[%swap3A, %swap3A_322] {strides = array<i32>} : memref<96x128xf32, #tpu.memory_space<vmem>>, vector<1x16xf32>,
        %swap3A_324 = vector.shape_cast %swap3A_323 : vector<1x16xf32> to vector<16xf32>
        %swap3A_325 = vector.shape_cast %max3A_321 : vector<16xf32> to vector<1x16xf32>
        tpu.vector_store %arg12[%swap3A, %swap3A_322], %swap3A_325 {strides = array<i32>} : memref<96x128xf32, #tpu.memory_space<vmem>>, vector<1x16xf32>,
        %get3A_326 = arith.index_cast %add3A_311 : i32 to index
        %get3A_327 = arith.constant 16 : index
        %get3A_328 = tpu.vector_load %arg12[%get3A_326, %get3A_327] {strides = array<i32>} : memref<96x128xf32, #tpu.memory_space<vmem>>, vector<1x16xf32>,
        %get3A_329 = vector.shape_cast %get3A_328 : vector<1x16xf32> to vector<16xf32>
        %get3A_330 = arith.index_cast %add3A_311 : i32 to index
        %get3A_331 = arith.constant 16 : index
        %get3A_332 = tpu.vector_load %arg14[%get3A_330, %get3A_331] {strides = array<i32>} : memref<96x128xf32, #tpu.memory_space<vmem>>, vector<1x16xf32>,
        %get3A_333 = vector.shape_cast %get3A_332 : vector<1x16xf32> to vector<16xf32>
        %add3A_334 = arith.addf %get3A_329, %get3A_333 : vector<16xf32>
        %max3A_335 = arith.constant 0.000000e+00 : f32
        %max3A_336 = vector.broadcast %max3A_335 : f32 to vector<16xf32>
        %max3A_337 = arith.maximumf %add3A_334, %max3A_336 : vector<16xf32>
        %swap3A_338 = arith.index_cast %add3A_311 : i32 to index
        %swap3A_339 = arith.constant 16 : index
        %swap3A_340 = tpu.vector_load %arg12[%swap3A_338, %swap3A_339] {strides = array<i32>} : memref<96x128xf32, #tpu.memory_space<vmem>>, vector<1x16xf32>,
        %swap3A_341 = vector.shape_cast %swap3A_340 : vector<1x16xf32> to vector<16xf32>
        %swap3A_342 = vector.shape_cast %max3A_337 : vector<16xf32> to vector<1x16xf32>
        tpu.vector_store %arg12[%swap3A_338, %swap3A_339], %swap3A_342 {strides = array<i32>} : memref<96x128xf32, #tpu.memory_space<vmem>>, vector<1x16xf32>,
        %get3A_343 = arith.index_cast %add3A_311 : i32 to index
        %get3A_344 = arith.constant 32 : index
        %get3A_345 = tpu.vector_load %arg12[%get3A_343, %get3A_344] {strides = array<i32>} : memref<96x128xf32, #tpu.memory_space<vmem>>, vector<1x16xf32>,
        %get3A_346 = vector.shape_cast %get3A_345 : vector<1x16xf32> to vector<16xf32>
        %get3A_347 = arith.index_cast %add3A_311 : i32 to index
        %get3A_348 = arith.constant 32 : index
        %get3A_349 = tpu.vector_load %arg14[%get3A_347, %get3A_348] {strides = array<i32>} : memref<96x128xf32, #tpu.memory_space<vmem>>, vector<1x16xf32>,
        %get3A_350 = vector.shape_cast %get3A_349 : vector<1x16xf32> to vector<16xf32>
        %add3A_351 = arith.addf %get3A_346, %get3A_350 : vector<16xf32>
        %max3A_352 = arith.constant 0.000000e+00 : f32
        %max3A_353 = vector.broadcast %max3A_352 : f32 to vector<16xf32>
        %max3A_354 = arith.maximumf %add3A_351, %max3A_353 : vector<16xf32>
        %swap3A_355 = arith.index_cast %add3A_311 : i32 to index
        %swap3A_356 = arith.constant 32 : index
        %swap3A_357 = tpu.vector_load %arg12[%swap3A_355, %swap3A_356] {strides = array<i32>} : memref<96x128xf32, #tpu.memory_space<vmem>>, vector<1x16xf32>,
        %swap3A_358 = vector.shape_cast %swap3A_357 : vector<1x16xf32> to vector<16xf32>
        %swap3A_359 = vector.shape_cast %max3A_354 : vector<16xf32> to vector<1x16xf32>
        tpu.vector_store %arg12[%swap3A_355, %swap3A_356], %swap3A_359 {strides = array<i32>} : memref<96x128xf32, #tpu.memory_space<vmem>>, vector<1x16xf32>,
        %get3A_360 = arith.index_cast %add3A_311 : i32 to index
        %get3A_361 = arith.constant 48 : index
        %get3A_362 = tpu.vector_load %arg12[%get3A_360, %get3A_361] {strides = array<i32>} : memref<96x128xf32, #tpu.memory_space<vmem>>, vector<1x16xf32>,
        %get3A_363 = vector.shape_cast %get3A_362 : vector<1x16xf32> to vector<16xf32>
        %get3A_364 = arith.index_cast %add3A_311 : i32 to index
        %get3A_365 = arith.constant 48 : index
        %get3A_366 = tpu.vector_load %arg14[%get3A_364, %get3A_365] {strides = array<i32>} : memref<96x128xf32, #tpu.memory_space<vmem>>, vector<1x16xf32>,
        %get3A_367 = vector.shape_cast %get3A_366 : vector<1x16xf32> to vector<16xf32>
        %add3A_368 = arith.addf %get3A_363, %get3A_367 : vector<16xf32>
        %max3A_369 = arith.constant 0.000000e+00 : f32
        %max3A_370 = vector.broadcast %max3A_369 : f32 to vector<16xf32>
        %max3A_371 = arith.maximumf %add3A_368, %max3A_370 : vector<16xf32>
        %swap3A_372 = arith.index_cast %add3A_311 : i32 to index
        %swap3A_373 = arith.constant 48 : index
        %swap3A_374 = tpu.vector_load %arg12[%swap3A_372, %swap3A_373] {strides = array<i32>} : memref<96x128xf32, #tpu.memory_space<vmem>>, vector<1x16xf32>,
        %swap3A_375 = vector.shape_cast %swap3A_374 : vector<1x16xf32> to vector<16xf32>
        %swap3A_376 = vector.shape_cast %max3A_371 : vector<16xf32> to vector<1x16xf32>
        tpu.vector_store %arg12[%swap3A_372, %swap3A_373], %swap3A_376 {strides = array<i32>} : memref<96x128xf32, #tpu.memory_space<vmem>>, vector<1x16xf32>,
        %get3A_377 = arith.index_cast %add3A_311 : i32 to index
        %get3A_378 = arith.constant 64 : index
        %get3A_379 = tpu.vector_load %arg12[%get3A_377, %get3A_378] {strides = array<i32>} : memref<96x128xf32, #tpu.memory_space<vmem>>, vector<1x16xf32>,
        %get3A_380 = vector.shape_cast %get3A_379 : vector<1x16xf32> to vector<16xf32>
        %get3A_381 = arith.index_cast %add3A_311 : i32 to index
        %get3A_382 = arith.constant 64 : index
        %get3A_383 = tpu.vector_load %arg14[%get3A_381, %get3A_382] {strides = array<i32>} : memref<96x128xf32, #tpu.memory_space<vmem>>, vector<1x16xf32>,
        %get3A_384 = vector.shape_cast %get3A_383 : vector<1x16xf32> to vector<16xf32>
        %add3A_385 = arith.addf %get3A_380, %get3A_384 : vector<16xf32>
        %max3A_386 = arith.constant 0.000000e+00 : f32
        %max3A_387 = vector.broadcast %max3A_386 : f32 to vector<16xf32>
        %max3A_388 = arith.maximumf %add3A_385, %max3A_387 : vector<16xf32>
        %swap3A_389 = arith.index_cast %add3A_311 : i32 to index
        %swap3A_390 = arith.constant 64 : index
        %swap3A_391 = tpu.vector_load %arg12[%swap3A_389, %swap3A_390] {strides = array<i32>} : memref<96x128xf32, #tpu.memory_space<vmem>>, vector<1x16xf32>,
        %swap3A_392 = vector.shape_cast %swap3A_391 : vector<1x16xf32> to vector<16xf32>
        %swap3A_393 = vector.shape_cast %max3A_388 : vector<16xf32> to vector<1x16xf32>
        tpu.vector_store %arg12[%swap3A_389, %swap3A_390], %swap3A_393 {strides = array<i32>} : memref<96x128xf32, #tpu.memory_space<vmem>>, vector<1x16xf32>,
        %get3A_394 = arith.index_cast %add3A_311 : i32 to index
        %get3A_395 = arith.constant 80 : index
        %get3A_396 = tpu.vector_load %arg12[%get3A_394, %get3A_395] {strides = array<i32>} : memref<96x128xf32, #tpu.memory_space<vmem>>, vector<1x16xf32>,
        %get3A_397 = vector.shape_cast %get3A_396 : vector<1x16xf32> to vector<16xf32>
        %get3A_398 = arith.index_cast %add3A_311 : i32 to index
        %get3A_399 = arith.constant 80 : index
        %get3A_400 = tpu.vector_load %arg14[%get3A_398, %get3A_399] {strides = array<i32>} : memref<96x128xf32, #tpu.memory_space<vmem>>, vector<1x16xf32>,
        %get3A_401 = vector.shape_cast %get3A_400 : vector<1x16xf32> to vector<16xf32>
        %add3A_402 = arith.addf %get3A_397, %get3A_401 : vector<16xf32>
        %max3A_403 = arith.constant 0.000000e+00 : f32
        %max3A_404 = vector.broadcast %max3A_403 : f32 to vector<16xf32>
        %max3A_405 = arith.maximumf %add3A_402, %max3A_404 : vector<16xf32>
        %swap3A_406 = arith.index_cast %add3A_311 : i32 to index
        %swap3A_407 = arith.constant 80 : index
        %swap3A_408 = tpu.vector_load %arg12[%swap3A_406, %swap3A_407] {strides = array<i32>} : memref<96x128xf32, #tpu.memory_space<vmem>>, vector<1x16xf32>,
        %swap3A_409 = vector.shape_cast %swap3A_408 : vector<1x16xf32> to vector<16xf32>
        %swap3A_410 = vector.shape_cast %max3A_405 : vector<16xf32> to vector<1x16xf32>
        tpu.vector_store %arg12[%swap3A_406, %swap3A_407], %swap3A_410 {strides = array<i32>} : memref<96x128xf32, #tpu.memory_space<vmem>>, vector<1x16xf32>,
        %get3A_411 = arith.index_cast %add3A_311 : i32 to index
        %get3A_412 = arith.constant 96 : index
        %get3A_413 = tpu.vector_load %arg12[%get3A_411, %get3A_412] {strides = array<i32>} : memref<96x128xf32, #tpu.memory_space<vmem>>, vector<1x16xf32>,
        %get3A_414 = vector.shape_cast %get3A_413 : vector<1x16xf32> to vector<16xf32>
        %get3A_415 = arith.index_cast %add3A_311 : i32 to index
        %get3A_416 = arith.constant 96 : index
        %get3A_417 = tpu.vector_load %arg14[%get3A_415, %get3A_416] {strides = array<i32>} : memref<96x128xf32, #tpu.memory_space<vmem>>, vector<1x16xf32>,
        %get3A_418 = vector.shape_cast %get3A_417 : vector<1x16xf32> to vector<16xf32>
        %add3A_419 = arith.addf %get3A_414, %get3A_418 : vector<16xf32>
        %max3A_420 = arith.constant 0.000000e+00 : f32
        %max3A_421 = vector.broadcast %max3A_420 : f32 to vector<16xf32>
        %max3A_422 = arith.maximumf %add3A_419, %max3A_421 : vector<16xf32>
        %swap3A_423 = arith.index_cast %add3A_311 : i32 to index
        %swap3A_424 = arith.constant 96 : index
        %swap3A_425 = tpu.vector_load %arg12[%swap3A_423, %swap3A_424] {strides = array<i32>} : memref<96x128xf32, #tpu.memory_space<vmem>>, vector<1x16xf32>,
        %swap3A_426 = vector.shape_cast %swap3A_425 : vector<1x16xf32> to vector<16xf32>
        %swap3A_427 = vector.shape_cast %max3A_422 : vector<16xf32> to vector<1x16xf32>
        tpu.vector_store %arg12[%swap3A_423, %swap3A_424], %swap3A_427 {strides = array<i32>} : memref<96x128xf32, #tpu.memory_space<vmem>>, vector<1x16xf32>,
        %get3A_428 = arith.index_cast %add3A_311 : i32 to index
        %get3A_429 = arith.constant 112 : index
        %get3A_430 = tpu.vector_load %arg12[%get3A_428, %get3A_429] {strides = array<i32>} : memref<96x128xf32, #tpu.memory_space<vmem>>, vector<1x16xf32>,
        %get3A_431 = vector.shape_cast %get3A_430 : vector<1x16xf32> to vector<16xf32>
        %get3A_432 = arith.index_cast %add3A_311 : i32 to index
        %get3A_433 = arith.constant 112 : index
        %get3A_434 = tpu.vector_load %arg14[%get3A_432, %get3A_433] {strides = array<i32>} : memref<96x128xf32, #tpu.memory_space<vmem>>, vector<1x16xf32>,
        %get3A_435 = vector.shape_cast %get3A_434 : vector<1x16xf32> to vector<16xf32>
        %add3A_436 = arith.addf %get3A_431, %get3A_435 : vector<16xf32>
        %max3A_437 = arith.constant 0.000000e+00 : f32
        %max3A_438 = vector.broadcast %max3A_437 : f32 to vector<16xf32>
        %max3A_439 = arith.maximumf %add3A_436, %max3A_438 : vector<16xf32>
        %swap3A_440 = arith.index_cast %add3A_311 : i32 to index
        %swap3A_441 = arith.constant 112 : index
        %swap3A_442 = tpu.vector_load %arg12[%swap3A_440, %swap3A_441] {strides = array<i32>} : memref<96x128xf32, #tpu.memory_space<vmem>>, vector<1x16xf32>,
        %swap3A_443 = vector.shape_cast %swap3A_442 : vector<1x16xf32> to vector<16xf32>
        %swap3A_444 = vector.shape_cast %max3A_439 : vector<16xf32> to vector<1x16xf32>
        tpu.vector_store %arg12[%swap3A_440, %swap3A_441], %swap3A_444 {strides = array<i32>} : memref<96x128xf32, #tpu.memory_space<vmem>>, vector<1x16xf32>,
      }
      %scan3A_213 = arith.constant 96 : i32
      %dma_wait3A_214 = arith.constant 0 : i32
      %dma_wait3A_215 = arith.constant 0 : i32
      %dma_wait3A_216 = tpu.memref_slice %arg5[%dma_wait3A_214, %dma_wait3A_215] : memref<3392x96xi32, #tpu.memory_space<hbm>> -> memref<1x96xi32, #tpu.memory_space<hbm>>
      %dma_wait3A_217 = arith.constant 0 : i32
      %dma_wait3A_218 = arith.constant 0 : i32
      %dma_wait3A_219 = tpu.memref_slice %arg5[%dma_wait3A_217, %dma_wait3A_218] : memref<3392x96xi32, #tpu.memory_space<hbm>> -> memref<1x96xi32, #tpu.memory_space<hbm>>
      tpu.wait_dma2 semaphore(%arg18 : memref<!tpu.dma_semaphore, #tpu.memory_space<semaphore_mem>>) src(%dma_wait3A_219 : memref<1x96xi32, #tpu.memory_space<hbm>>) dst(%arg10 : memref<1x96xi32, #tpu.memory_space<vmem>>)
      %dma_start3A_220 = arith.constant 0 : i32
      %dma_start3A_221 = arith.constant 0 : i32
      %dma_start3A_222 = tpu.memref_slice %arg10[%dma_start3A_220, %dma_start3A_221] : memref<1x96xi32, #tpu.memory_space<vmem>> -> memref<1x96xi32, #tpu.memory_space<vmem>>
      %dma_start3A_223 = tpu.memref_squeeze %dma_start3A_222 : memref<1x96xi32, #tpu.memory_space<vmem>> -> memref<96xi32, #tpu.memory_space<vmem>>
      %dma_start3A_224 = arith.constant 0 : i32
      %dma_start3A_225 = arith.constant 0 : i32
      %dma_start3A_226 = tpu.memref_slice %arg7[%dma_start3A_224, %dma_start3A_225] : memref<10112x128xf32, #tpu.memory_space<vmem_shared>> -> memref<10112x128xf32, #tpu.memory_space<vmem_shared>>
      tpu.enqueue_indirect_dma source(%arg12 : memref<96x128xf32, #tpu.memory_space<vmem>>) target(%dma_start3A_226 : memref<10112x128xf32, #tpu.memory_space<vmem_shared>>) offsets(%dma_start3A_223 : memref<96xi32, #tpu.memory_space<vmem>>) semaphore(%arg24 : memref<!tpu.dma_semaphore, #tpu.memory_space<semaphore_mem>>) {add = true}
      %mul3A_227 = arith.constant 2 : i32
      %mul3A_228 = arith.muli %mul3A_227, %add3A_152 : i32
      %add3A_229 = arith.constant 1 : i32
      %add3A_230 = arith.addi %mul3A_228, %add3A_229 : i32
      %dma_wait3A_231 = arith.constant 0 : i32
      %dma_wait3A_232 = arith.constant 0 : i32
      %dma_wait3A_233 = tpu.memref_slice %arg9[%dma_wait3A_231, %dma_wait3A_232] : memref<1x96xi32, #tpu.memory_space<vmem>> -> memref<1x96xi32, #tpu.memory_space<vmem>>
      %dma_wait3A_234 = tpu.memref_squeeze %dma_wait3A_233 : memref<1x96xi32, #tpu.memory_space<vmem>> -> memref<96xi32, #tpu.memory_space<vmem>>
      %dma_wait3A_235 = arith.constant 0 : i32
      %dma_wait3A_236 = arith.constant 0 : i32
      %dma_wait3A_237 = tpu.memref_slice %arg2[%dma_wait3A_235, %dma_wait3A_236] : memref<10000x128xf32, #tpu.memory_space<hbm>> -> memref<10000x128xf32, #tpu.memory_space<hbm>>
      tpu.wait_indirect_dma semaphore(%arg21 : memref<!tpu.dma_semaphore, #tpu.memory_space<semaphore_mem>>) src(%dma_wait3A_237 : memref<10000x128xf32, #tpu.memory_space<hbm>>) dst(%arg13 : memref<96x128xf32, #tpu.memory_space<vmem>>)
      %add3A_238 = arith.constant 2 : i32
      %add3A_239 = arith.addi %add3A_230, %add3A_238 : i32
      %sub3A_240 = arith.constant 1 : i32
      %sub3A_241 = arith.subi %select_n3A, %sub3A_240 : i32
      %min3A_242 = arith.minsi %add3A_239, %sub3A_241 : i32
      %add3A_243 = arith.addi %select_n3A_11, %min3A_242 : i32
      %dma_start3A_244 = arith.constant 0 : i32
      %dma_start3A_245 = tpu.memref_slice %arg4[%add3A_243, %dma_start3A_244] : memref<3392x96xi32, #tpu.memory_space<hbm>> -> memref<1x96xi32, #tpu.memory_space<hbm>>
      %dma_start3A_246 = arith.constant 0 : i32
      %dma_start3A_247 = tpu.memref_slice %arg4[%add3A_243, %dma_start3A_246] : memref<3392x96xi32, #tpu.memory_space<hbm>> -> memref<1x96xi32, #tpu.memory_space<hbm>>
      tpu.enqueue_dma source(%dma_start3A_247 : memref<1x96xi32, #tpu.memory_space<hbm>>) target(%arg9 : memref<1x96xi32, #tpu.memory_space<vmem>>) target_semaphore(%arg17 : memref<!tpu.dma_semaphore, #tpu.memory_space<semaphore_mem>>)
      %gt3A_248 = arith.constant 0 : i32
      %gt3A_249 = arith.cmpi sgt, %add3A_230, %gt3A_248 : i32
      %convert_element_type3A_250 = arith.extui %gt3A_249 : i1 to i32
      %cond3A_251 = arith.constant 0 : i32
      %cond3A_252 = arith.cmpi ne, %convert_element_type3A_250, %cond3A_251 : i32
      scf.if %cond3A_252 {
        %dma_wait3A_307 = arith.constant 0 : i32
        %dma_wait3A_308 = arith.constant 0 : i32
        %dma_wait3A_309 = tpu.memref_slice %arg10[%dma_wait3A_307, %dma_wait3A_308] : memref<1x96xi32, #tpu.memory_space<vmem>> -> memref<1x96xi32, #tpu.memory_space<vmem>>
        %dma_wait3A_310 = tpu.memref_squeeze %dma_wait3A_309 : memref<1x96xi32, #tpu.memory_space<vmem>> -> memref<96xi32, #tpu.memory_space<vmem>>
        %dma_wait3A_311 = arith.constant 0 : i32
        %dma_wait3A_312 = arith.constant 0 : i32
        %dma_wait3A_313 = tpu.memref_slice %arg7[%dma_wait3A_311, %dma_wait3A_312] : memref<10112x128xf32, #tpu.memory_space<vmem_shared>> -> memref<10112x128xf32, #tpu.memory_space<vmem_shared>>
        tpu.wait_indirect_dma semaphore(%arg24 : memref<!tpu.dma_semaphore, #tpu.memory_space<semaphore_mem>>) src(%arg12 : memref<96x128xf32, #tpu.memory_space<vmem>>) dst(%dma_wait3A_313 : memref<10112x128xf32, #tpu.memory_space<vmem_shared>>)
      } else {
      }
      %add3A_253 = arith.constant 1 : i32
      %add3A_254 = arith.addi %add3A_230, %add3A_253 : i32
      %sub3A_255 = arith.constant 1 : i32
      %sub3A_256 = arith.subi %select_n3A, %sub3A_255 : i32
      %min3A_257 = arith.minsi %add3A_254, %sub3A_256 : i32
      %add3A_258 = arith.addi %select_n3A_11, %min3A_257 : i32
      %dma_start3A_259 = arith.constant 0 : i32
      %dma_start3A_260 = tpu.memref_slice %arg5[%add3A_258, %dma_start3A_259] : memref<3392x96xi32, #tpu.memory_space<hbm>> -> memref<1x96xi32, #tpu.memory_space<hbm>>
      %dma_start3A_261 = arith.constant 0 : i32
      %dma_start3A_262 = tpu.memref_slice %arg5[%add3A_258, %dma_start3A_261] : memref<3392x96xi32, #tpu.memory_space<hbm>> -> memref<1x96xi32, #tpu.memory_space<hbm>>
      tpu.enqueue_dma source(%dma_start3A_262 : memref<1x96xi32, #tpu.memory_space<hbm>>) target(%arg10 : memref<1x96xi32, #tpu.memory_space<vmem>>) target_semaphore(%arg18 : memref<!tpu.dma_semaphore, #tpu.memory_space<semaphore_mem>>)
      %dma_wait3A_263 = arith.constant 0 : i32
      %dma_wait3A_264 = arith.constant 0 : i32
      %dma_wait3A_265 = tpu.memref_slice %arg4[%dma_wait3A_263, %dma_wait3A_264] : memref<3392x96xi32, #tpu.memory_space<hbm>> -> memref<1x96xi32, #tpu.memory_space<hbm>>
      %dma_wait3A_266 = arith.constant 0 : i32
      %dma_wait3A_267 = arith.constant 0 : i32
      %dma_wait3A_268 = tpu.memref_slice %arg4[%dma_wait3A_266, %dma_wait3A_267] : memref<3392x96xi32, #tpu.memory_space<hbm>> -> memref<1x96xi32, #tpu.memory_space<hbm>>
      tpu.wait_dma2 semaphore(%arg16 : memref<!tpu.dma_semaphore, #tpu.memory_space<semaphore_mem>>) src(%dma_wait3A_268 : memref<1x96xi32, #tpu.memory_space<hbm>>) dst(%arg8 : memref<1x96xi32, #tpu.memory_space<vmem>>)
      %dma_start3A_269 = arith.constant 0 : i32
      %dma_start3A_270 = arith.constant 0 : i32
      %dma_start3A_271 = tpu.memref_slice %arg8[%dma_start3A_269, %dma_start3A_270] : memref<1x96xi32, #tpu.memory_space<vmem>> -> memref<1x96xi32, #tpu.memory_space<vmem>>
      %dma_start3A_272 = tpu.memref_squeeze %dma_start3A_271 : memref<1x96xi32, #tpu.memory_space<vmem>> -> memref<96xi32, #tpu.memory_space<vmem>>
      %dma_start3A_273 = arith.constant 0 : i32
      %dma_start3A_274 = arith.constant 0 : i32
      %dma_start3A_275 = tpu.memref_slice %arg2[%dma_start3A_273, %dma_start3A_274] : memref<10000x128xf32, #tpu.memory_space<hbm>> -> memref<10000x128xf32, #tpu.memory_space<hbm>>
      tpu.enqueue_indirect_dma source(%dma_start3A_275 : memref<10000x128xf32, #tpu.memory_space<hbm>>) target(%arg12 : memref<96x128xf32, #tpu.memory_space<vmem>>) offsets(%dma_start3A_272 : memref<96xi32, #tpu.memory_space<vmem>>) semaphore(%arg20 : memref<!tpu.dma_semaphore, #tpu.memory_space<semaphore_mem>>)
      %add3A_276 = arith.addi %select_n3A_11, %min3A_257 : i32
      %mul3A_277 = arith.constant 96 : i32
      %mul3A_278 = arith.muli %add3A_276, %mul3A_277 : i32
      %dma_start3A_279 = arith.constant 0 : i32
      %dma_start3A_280 = tpu.memref_slice %arg3[%mul3A_278, %dma_start3A_279] : memref<327680x128xf32, #tpu.memory_space<hbm>> -> memref<96x128xf32, #tpu.memory_space<hbm>>
      %dma_start3A_281 = arith.constant 0 : i32
      %dma_start3A_282 = tpu.memref_slice %arg3[%mul3A_278, %dma_start3A_281] : memref<327680x128xf32, #tpu.memory_space<hbm>> -> memref<96x128xf32, #tpu.memory_space<hbm>>
      tpu.enqueue_dma source(%dma_start3A_282 : memref<96x128xf32, #tpu.memory_space<hbm>>) target(%arg14 : memref<96x128xf32, #tpu.memory_space<vmem>>) target_semaphore(%arg22 : memref<!tpu.dma_semaphore, #tpu.memory_space<semaphore_mem>>)
      %dma_wait3A_283 = arith.constant 0 : i32
      %dma_wait3A_284 = arith.constant 0 : i32
      %dma_wait3A_285 = tpu.memref_slice %arg3[%dma_wait3A_283, %dma_wait3A_284] : memref<327680x128xf32, #tpu.memory_space<hbm>> -> memref<96x128xf32, #tpu.memory_space<hbm>>
      %dma_wait3A_286 = arith.constant 0 : i32
      %dma_wait3A_287 = arith.constant 0 : i32
      %dma_wait3A_288 = tpu.memref_slice %arg3[%dma_wait3A_286, %dma_wait3A_287] : memref<327680x128xf32, #tpu.memory_space<hbm>> -> memref<96x128xf32, #tpu.memory_space<hbm>>
      tpu.wait_dma2 semaphore(%arg23 : memref<!tpu.dma_semaphore, #tpu.memory_space<semaphore_mem>>) src(%dma_wait3A_288 : memref<96x128xf32, #tpu.memory_space<hbm>>) dst(%arg15 : memref<96x128xf32, #tpu.memory_space<vmem>>)
      %scan3A_289 = arith.constant 0 : i32
      %scan3A_290 = arith.constant 96 : i32
      %scan3A_291 = arith.addi %scan3A_289, %scan3A_290 : i32
      %scan3A_292 = arith.constant 1 : i32
      scf.for %scan3A_307 = %scan3A_289 to %scan3A_291 step %scan3A_292  : i32 {
        %mul3A_308 = arith.constant 1 : i32
        %mul3A_309 = arith.muli %scan3A_307, %mul3A_308 : i32
        %add3A_310 = arith.constant 0 : i32
        %add3A_311 = arith.addi %add3A_310, %mul3A_309 : i32
        %get3A = arith.index_cast %add3A_311 : i32 to index
        %get3A_312 = arith.constant 0 : index
        %get3A_313 = tpu.vector_load %arg13[%get3A, %get3A_312] {strides = array<i32>} : memref<96x128xf32, #tpu.memory_space<vmem>>, vector<1x16xf32>,
        %get3A_314 = vector.shape_cast %get3A_313 : vector<1x16xf32> to vector<16xf32>
        %get3A_315 = arith.index_cast %add3A_311 : i32 to index
        %get3A_316 = arith.constant 0 : index
        %get3A_317 = tpu.vector_load %arg15[%get3A_315, %get3A_316] {strides = array<i32>} : memref<96x128xf32, #tpu.memory_space<vmem>>, vector<1x16xf32>,
        %get3A_318 = vector.shape_cast %get3A_317 : vector<1x16xf32> to vector<16xf32>
        %add3A_319 = arith.addf %get3A_314, %get3A_318 : vector<16xf32>
        %max3A = arith.constant 0.000000e+00 : f32
        %max3A_320 = vector.broadcast %max3A : f32 to vector<16xf32>
        %max3A_321 = arith.maximumf %add3A_319, %max3A_320 : vector<16xf32>
        %swap3A = arith.index_cast %add3A_311 : i32 to index
        %swap3A_322 = arith.constant 0 : index
        %swap3A_323 = tpu.vector_load %arg13[%swap3A, %swap3A_322] {strides = array<i32>} : memref<96x128xf32, #tpu.memory_space<vmem>>, vector<1x16xf32>,
        %swap3A_324 = vector.shape_cast %swap3A_323 : vector<1x16xf32> to vector<16xf32>
        %swap3A_325 = vector.shape_cast %max3A_321 : vector<16xf32> to vector<1x16xf32>
        tpu.vector_store %arg13[%swap3A, %swap3A_322], %swap3A_325 {strides = array<i32>} : memref<96x128xf32, #tpu.memory_space<vmem>>, vector<1x16xf32>,
        %get3A_326 = arith.index_cast %add3A_311 : i32 to index
        %get3A_327 = arith.constant 16 : index
        %get3A_328 = tpu.vector_load %arg13[%get3A_326, %get3A_327] {strides = array<i32>} : memref<96x128xf32, #tpu.memory_space<vmem>>, vector<1x16xf32>,
        %get3A_329 = vector.shape_cast %get3A_328 : vector<1x16xf32> to vector<16xf32>
        %get3A_330 = arith.index_cast %add3A_311 : i32 to index
        %get3A_331 = arith.constant 16 : index
        %get3A_332 = tpu.vector_load %arg15[%get3A_330, %get3A_331] {strides = array<i32>} : memref<96x128xf32, #tpu.memory_space<vmem>>, vector<1x16xf32>,
        %get3A_333 = vector.shape_cast %get3A_332 : vector<1x16xf32> to vector<16xf32>
        %add3A_334 = arith.addf %get3A_329, %get3A_333 : vector<16xf32>
        %max3A_335 = arith.constant 0.000000e+00 : f32
        %max3A_336 = vector.broadcast %max3A_335 : f32 to vector<16xf32>
        %max3A_337 = arith.maximumf %add3A_334, %max3A_336 : vector<16xf32>
        %swap3A_338 = arith.index_cast %add3A_311 : i32 to index
        %swap3A_339 = arith.constant 16 : index
        %swap3A_340 = tpu.vector_load %arg13[%swap3A_338, %swap3A_339] {strides = array<i32>} : memref<96x128xf32, #tpu.memory_space<vmem>>, vector<1x16xf32>,
        %swap3A_341 = vector.shape_cast %swap3A_340 : vector<1x16xf32> to vector<16xf32>
        %swap3A_342 = vector.shape_cast %max3A_337 : vector<16xf32> to vector<1x16xf32>
        tpu.vector_store %arg13[%swap3A_338, %swap3A_339], %swap3A_342 {strides = array<i32>} : memref<96x128xf32, #tpu.memory_space<vmem>>, vector<1x16xf32>,
        %get3A_343 = arith.index_cast %add3A_311 : i32 to index
        %get3A_344 = arith.constant 32 : index
        %get3A_345 = tpu.vector_load %arg13[%get3A_343, %get3A_344] {strides = array<i32>} : memref<96x128xf32, #tpu.memory_space<vmem>>, vector<1x16xf32>,
        %get3A_346 = vector.shape_cast %get3A_345 : vector<1x16xf32> to vector<16xf32>
        %get3A_347 = arith.index_cast %add3A_311 : i32 to index
        %get3A_348 = arith.constant 32 : index
        %get3A_349 = tpu.vector_load %arg15[%get3A_347, %get3A_348] {strides = array<i32>} : memref<96x128xf32, #tpu.memory_space<vmem>>, vector<1x16xf32>,
        %get3A_350 = vector.shape_cast %get3A_349 : vector<1x16xf32> to vector<16xf32>
        %add3A_351 = arith.addf %get3A_346, %get3A_350 : vector<16xf32>
        %max3A_352 = arith.constant 0.000000e+00 : f32
        %max3A_353 = vector.broadcast %max3A_352 : f32 to vector<16xf32>
        %max3A_354 = arith.maximumf %add3A_351, %max3A_353 : vector<16xf32>
        %swap3A_355 = arith.index_cast %add3A_311 : i32 to index
        %swap3A_356 = arith.constant 32 : index
        %swap3A_357 = tpu.vector_load %arg13[%swap3A_355, %swap3A_356] {strides = array<i32>} : memref<96x128xf32, #tpu.memory_space<vmem>>, vector<1x16xf32>,
        %swap3A_358 = vector.shape_cast %swap3A_357 : vector<1x16xf32> to vector<16xf32>
        %swap3A_359 = vector.shape_cast %max3A_354 : vector<16xf32> to vector<1x16xf32>
        tpu.vector_store %arg13[%swap3A_355, %swap3A_356], %swap3A_359 {strides = array<i32>} : memref<96x128xf32, #tpu.memory_space<vmem>>, vector<1x16xf32>,
        %get3A_360 = arith.index_cast %add3A_311 : i32 to index
        %get3A_361 = arith.constant 48 : index
        %get3A_362 = tpu.vector_load %arg13[%get3A_360, %get3A_361] {strides = array<i32>} : memref<96x128xf32, #tpu.memory_space<vmem>>, vector<1x16xf32>,
        %get3A_363 = vector.shape_cast %get3A_362 : vector<1x16xf32> to vector<16xf32>
        %get3A_364 = arith.index_cast %add3A_311 : i32 to index
        %get3A_365 = arith.constant 48 : index
        %get3A_366 = tpu.vector_load %arg15[%get3A_364, %get3A_365] {strides = array<i32>} : memref<96x128xf32, #tpu.memory_space<vmem>>, vector<1x16xf32>,
        %get3A_367 = vector.shape_cast %get3A_366 : vector<1x16xf32> to vector<16xf32>
        %add3A_368 = arith.addf %get3A_363, %get3A_367 : vector<16xf32>
        %max3A_369 = arith.constant 0.000000e+00 : f32
        %max3A_370 = vector.broadcast %max3A_369 : f32 to vector<16xf32>
        %max3A_371 = arith.maximumf %add3A_368, %max3A_370 : vector<16xf32>
        %swap3A_372 = arith.index_cast %add3A_311 : i32 to index
        %swap3A_373 = arith.constant 48 : index
        %swap3A_374 = tpu.vector_load %arg13[%swap3A_372, %swap3A_373] {strides = array<i32>} : memref<96x128xf32, #tpu.memory_space<vmem>>, vector<1x16xf32>,
        %swap3A_375 = vector.shape_cast %swap3A_374 : vector<1x16xf32> to vector<16xf32>
        %swap3A_376 = vector.shape_cast %max3A_371 : vector<16xf32> to vector<1x16xf32>
        tpu.vector_store %arg13[%swap3A_372, %swap3A_373], %swap3A_376 {strides = array<i32>} : memref<96x128xf32, #tpu.memory_space<vmem>>, vector<1x16xf32>,
        %get3A_377 = arith.index_cast %add3A_311 : i32 to index
        %get3A_378 = arith.constant 64 : index
        %get3A_379 = tpu.vector_load %arg13[%get3A_377, %get3A_378] {strides = array<i32>} : memref<96x128xf32, #tpu.memory_space<vmem>>, vector<1x16xf32>,
        %get3A_380 = vector.shape_cast %get3A_379 : vector<1x16xf32> to vector<16xf32>
        %get3A_381 = arith.index_cast %add3A_311 : i32 to index
        %get3A_382 = arith.constant 64 : index
        %get3A_383 = tpu.vector_load %arg15[%get3A_381, %get3A_382] {strides = array<i32>} : memref<96x128xf32, #tpu.memory_space<vmem>>, vector<1x16xf32>,
        %get3A_384 = vector.shape_cast %get3A_383 : vector<1x16xf32> to vector<16xf32>
        %add3A_385 = arith.addf %get3A_380, %get3A_384 : vector<16xf32>
        %max3A_386 = arith.constant 0.000000e+00 : f32
        %max3A_387 = vector.broadcast %max3A_386 : f32 to vector<16xf32>
        %max3A_388 = arith.maximumf %add3A_385, %max3A_387 : vector<16xf32>
        %swap3A_389 = arith.index_cast %add3A_311 : i32 to index
        %swap3A_390 = arith.constant 64 : index
        %swap3A_391 = tpu.vector_load %arg13[%swap3A_389, %swap3A_390] {strides = array<i32>} : memref<96x128xf32, #tpu.memory_space<vmem>>, vector<1x16xf32>,
        %swap3A_392 = vector.shape_cast %swap3A_391 : vector<1x16xf32> to vector<16xf32>
        %swap3A_393 = vector.shape_cast %max3A_388 : vector<16xf32> to vector<1x16xf32>
        tpu.vector_store %arg13[%swap3A_389, %swap3A_390], %swap3A_393 {strides = array<i32>} : memref<96x128xf32, #tpu.memory_space<vmem>>, vector<1x16xf32>,
        %get3A_394 = arith.index_cast %add3A_311 : i32 to index
        %get3A_395 = arith.constant 80 : index
        %get3A_396 = tpu.vector_load %arg13[%get3A_394, %get3A_395] {strides = array<i32>} : memref<96x128xf32, #tpu.memory_space<vmem>>, vector<1x16xf32>,
        %get3A_397 = vector.shape_cast %get3A_396 : vector<1x16xf32> to vector<16xf32>
        %get3A_398 = arith.index_cast %add3A_311 : i32 to index
        %get3A_399 = arith.constant 80 : index
        %get3A_400 = tpu.vector_load %arg15[%get3A_398, %get3A_399] {strides = array<i32>} : memref<96x128xf32, #tpu.memory_space<vmem>>, vector<1x16xf32>,
        %get3A_401 = vector.shape_cast %get3A_400 : vector<1x16xf32> to vector<16xf32>
        %add3A_402 = arith.addf %get3A_397, %get3A_401 : vector<16xf32>
        %max3A_403 = arith.constant 0.000000e+00 : f32
        %max3A_404 = vector.broadcast %max3A_403 : f32 to vector<16xf32>
        %max3A_405 = arith.maximumf %add3A_402, %max3A_404 : vector<16xf32>
        %swap3A_406 = arith.index_cast %add3A_311 : i32 to index
        %swap3A_407 = arith.constant 80 : index
        %swap3A_408 = tpu.vector_load %arg13[%swap3A_406, %swap3A_407] {strides = array<i32>} : memref<96x128xf32, #tpu.memory_space<vmem>>, vector<1x16xf32>,
        %swap3A_409 = vector.shape_cast %swap3A_408 : vector<1x16xf32> to vector<16xf32>
        %swap3A_410 = vector.shape_cast %max3A_405 : vector<16xf32> to vector<1x16xf32>
        tpu.vector_store %arg13[%swap3A_406, %swap3A_407], %swap3A_410 {strides = array<i32>} : memref<96x128xf32, #tpu.memory_space<vmem>>, vector<1x16xf32>,
        %get3A_411 = arith.index_cast %add3A_311 : i32 to index
        %get3A_412 = arith.constant 96 : index
        %get3A_413 = tpu.vector_load %arg13[%get3A_411, %get3A_412] {strides = array<i32>} : memref<96x128xf32, #tpu.memory_space<vmem>>, vector<1x16xf32>,
        %get3A_414 = vector.shape_cast %get3A_413 : vector<1x16xf32> to vector<16xf32>
        %get3A_415 = arith.index_cast %add3A_311 : i32 to index
        %get3A_416 = arith.constant 96 : index
        %get3A_417 = tpu.vector_load %arg15[%get3A_415, %get3A_416] {strides = array<i32>} : memref<96x128xf32, #tpu.memory_space<vmem>>, vector<1x16xf32>,
        %get3A_418 = vector.shape_cast %get3A_417 : vector<1x16xf32> to vector<16xf32>
        %add3A_419 = arith.addf %get3A_414, %get3A_418 : vector<16xf32>
        %max3A_420 = arith.constant 0.000000e+00 : f32
        %max3A_421 = vector.broadcast %max3A_420 : f32 to vector<16xf32>
        %max3A_422 = arith.maximumf %add3A_419, %max3A_421 : vector<16xf32>
        %swap3A_423 = arith.index_cast %add3A_311 : i32 to index
        %swap3A_424 = arith.constant 96 : index
        %swap3A_425 = tpu.vector_load %arg13[%swap3A_423, %swap3A_424] {strides = array<i32>} : memref<96x128xf32, #tpu.memory_space<vmem>>, vector<1x16xf32>,
        %swap3A_426 = vector.shape_cast %swap3A_425 : vector<1x16xf32> to vector<16xf32>
        %swap3A_427 = vector.shape_cast %max3A_422 : vector<16xf32> to vector<1x16xf32>
        tpu.vector_store %arg13[%swap3A_423, %swap3A_424], %swap3A_427 {strides = array<i32>} : memref<96x128xf32, #tpu.memory_space<vmem>>, vector<1x16xf32>,
        %get3A_428 = arith.index_cast %add3A_311 : i32 to index
        %get3A_429 = arith.constant 112 : index
        %get3A_430 = tpu.vector_load %arg13[%get3A_428, %get3A_429] {strides = array<i32>} : memref<96x128xf32, #tpu.memory_space<vmem>>, vector<1x16xf32>,
        %get3A_431 = vector.shape_cast %get3A_430 : vector<1x16xf32> to vector<16xf32>
        %get3A_432 = arith.index_cast %add3A_311 : i32 to index
        %get3A_433 = arith.constant 112 : index
        %get3A_434 = tpu.vector_load %arg15[%get3A_432, %get3A_433] {strides = array<i32>} : memref<96x128xf32, #tpu.memory_space<vmem>>, vector<1x16xf32>,
        %get3A_435 = vector.shape_cast %get3A_434 : vector<1x16xf32> to vector<16xf32>
        %add3A_436 = arith.addf %get3A_431, %get3A_435 : vector<16xf32>
        %max3A_437 = arith.constant 0.000000e+00 : f32
        %max3A_438 = vector.broadcast %max3A_437 : f32 to vector<16xf32>
        %max3A_439 = arith.maximumf %add3A_436, %max3A_438 : vector<16xf32>
        %swap3A_440 = arith.index_cast %add3A_311 : i32 to index
        %swap3A_441 = arith.constant 112 : index
        %swap3A_442 = tpu.vector_load %arg13[%swap3A_440, %swap3A_441] {strides = array<i32>} : memref<96x128xf32, #tpu.memory_space<vmem>>, vector<1x16xf32>,
        %swap3A_443 = vector.shape_cast %swap3A_442 : vector<1x16xf32> to vector<16xf32>
        %swap3A_444 = vector.shape_cast %max3A_439 : vector<16xf32> to vector<1x16xf32>
        tpu.vector_store %arg13[%swap3A_440, %swap3A_441], %swap3A_444 {strides = array<i32>} : memref<96x128xf32, #tpu.memory_space<vmem>>, vector<1x16xf32>,
      }
      %scan3A_293 = arith.constant 96 : i32
      %dma_wait3A_294 = arith.constant 0 : i32
      %dma_wait3A_295 = arith.constant 0 : i32
      %dma_wait3A_296 = tpu.memref_slice %arg5[%dma_wait3A_294, %dma_wait3A_295] : memref<3392x96xi32, #tpu.memory_space<hbm>> -> memref<1x96xi32, #tpu.memory_space<hbm>>
      %dma_wait3A_297 = arith.constant 0 : i32
      %dma_wait3A_298 = arith.constant 0 : i32
      %dma_wait3A_299 = tpu.memref_slice %arg5[%dma_wait3A_297, %dma_wait3A_298] : memref<3392x96xi32, #tpu.memory_space<hbm>> -> memref<1x96xi32, #tpu.memory_space<hbm>>
      tpu.wait_dma2 semaphore(%arg19 : memref<!tpu.dma_semaphore, #tpu.memory_space<semaphore_mem>>) src(%dma_wait3A_299 : memref<1x96xi32, #tpu.memory_space<hbm>>) dst(%arg11 : memref<1x96xi32, #tpu.memory_space<vmem>>)
      %dma_start3A_300 = arith.constant 0 : i32
      %dma_start3A_301 = arith.constant 0 : i32
      %dma_start3A_302 = tpu.memref_slice %arg11[%dma_start3A_300, %dma_start3A_301] : memref<1x96xi32, #tpu.memory_space<vmem>> -> memref<1x96xi32, #tpu.memory_space<vmem>>
      %dma_start3A_303 = tpu.memref_squeeze %dma_start3A_302 : memref<1x96xi32, #tpu.memory_space<vmem>> -> memref<96xi32, #tpu.memory_space<vmem>>
      %dma_start3A_304 = arith.constant 0 : i32
      %dma_start3A_305 = arith.constant 0 : i32
      %dma_start3A_306 = tpu.memref_slice %arg7[%dma_start3A_304, %dma_start3A_305] : memref<10112x128xf32, #tpu.memory_space<vmem_shared>> -> memref<10112x128xf32, #tpu.memory_space<vmem_shared>>
      tpu.enqueue_indirect_dma source(%arg13 : memref<96x128xf32, #tpu.memory_space<vmem>>) target(%dma_start3A_306 : memref<10112x128xf32, #tpu.memory_space<vmem_shared>>) offsets(%dma_start3A_303 : memref<96xi32, #tpu.memory_space<vmem>>) semaphore(%arg25 : memref<!tpu.dma_semaphore, #tpu.memory_space<semaphore_mem>>) {add = true}
    }
    %while3A_109 = arith.constant 1 : i32
    scf.for %while3A_150 = %while3A_107 to %while3A_103 step %while3A_109  : i32 {
      %mul3A_151 = arith.muli %while3A_150, %while3A : i32
      %add3A_152 = arith.addi %while3A_100, %mul3A_151 : i32
      %mul3A_153 = arith.constant 2 : i32
      %mul3A_154 = arith.muli %mul3A_153, %add3A_152 : i32
      %dma_wait3A_155 = arith.constant 0 : i32
      %dma_wait3A_156 = arith.constant 0 : i32
      %dma_wait3A_157 = tpu.memref_slice %arg8[%dma_wait3A_155, %dma_wait3A_156] : memref<1x96xi32, #tpu.memory_space<vmem>> -> memref<1x96xi32, #tpu.memory_space<vmem>>
      %dma_wait3A_158 = tpu.memref_squeeze %dma_wait3A_157 : memref<1x96xi32, #tpu.memory_space<vmem>> -> memref<96xi32, #tpu.memory_space<vmem>>
      %dma_wait3A_159 = arith.constant 0 : i32
      %dma_wait3A_160 = arith.constant 0 : i32
      %dma_wait3A_161 = tpu.memref_slice %arg2[%dma_wait3A_159, %dma_wait3A_160] : memref<10000x128xf32, #tpu.memory_space<hbm>> -> memref<10000x128xf32, #tpu.memory_space<hbm>>
      tpu.wait_indirect_dma semaphore(%arg20 : memref<!tpu.dma_semaphore, #tpu.memory_space<semaphore_mem>>) src(%dma_wait3A_161 : memref<10000x128xf32, #tpu.memory_space<hbm>>) dst(%arg12 : memref<96x128xf32, #tpu.memory_space<vmem>>)
      %add3A_162 = arith.constant 2 : i32
      %add3A_163 = arith.addi %mul3A_154, %add3A_162 : i32
      %sub3A_164 = arith.constant 1 : i32
      %sub3A_165 = arith.subi %select_n3A, %sub3A_164 : i32
      %min3A = arith.minsi %add3A_163, %sub3A_165 : i32
      %add3A_166 = arith.addi %select_n3A_11, %min3A : i32
      %dma_start3A_167 = arith.constant 0 : i32
      %dma_start3A_168 = tpu.memref_slice %arg4[%add3A_166, %dma_start3A_167] : memref<3392x96xi32, #tpu.memory_space<hbm>> -> memref<1x96xi32, #tpu.memory_space<hbm>>
      %dma_start3A_169 = arith.constant 0 : i32
      %dma_start3A_170 = tpu.memref_slice %arg4[%add3A_166, %dma_start3A_169] : memref<3392x96xi32, #tpu.memory_space<hbm>> -> memref<1x96xi32, #tpu.memory_space<hbm>>
      tpu.enqueue_dma source(%dma_start3A_170 : memref<1x96xi32, #tpu.memory_space<hbm>>) target(%arg8 : memref<1x96xi32, #tpu.memory_space<vmem>>) target_semaphore(%arg16 : memref<!tpu.dma_semaphore, #tpu.memory_space<semaphore_mem>>)
      %gt3A = arith.constant 0 : i32
      %gt3A_171 = arith.cmpi sgt, %mul3A_154, %gt3A : i32
      %convert_element_type3A = arith.extui %gt3A_171 : i1 to i32
      %cond3A = arith.constant 0 : i32
      %cond3A_172 = arith.cmpi ne, %convert_element_type3A, %cond3A : i32
      scf.if %cond3A_172 {
        %dma_wait3A_307 = arith.constant 0 : i32
        %dma_wait3A_308 = arith.constant 0 : i32
        %dma_wait3A_309 = tpu.memref_slice %arg11[%dma_wait3A_307, %dma_wait3A_308] : memref<1x96xi32, #tpu.memory_space<vmem>> -> memref<1x96xi32, #tpu.memory_space<vmem>>
        %dma_wait3A_310 = tpu.memref_squeeze %dma_wait3A_309 : memref<1x96xi32, #tpu.memory_space<vmem>> -> memref<96xi32, #tpu.memory_space<vmem>>
        %dma_wait3A_311 = arith.constant 0 : i32
        %dma_wait3A_312 = arith.constant 0 : i32
        %dma_wait3A_313 = tpu.memref_slice %arg7[%dma_wait3A_311, %dma_wait3A_312] : memref<10112x128xf32, #tpu.memory_space<vmem_shared>> -> memref<10112x128xf32, #tpu.memory_space<vmem_shared>>
        tpu.wait_indirect_dma semaphore(%arg25 : memref<!tpu.dma_semaphore, #tpu.memory_space<semaphore_mem>>) src(%arg13 : memref<96x128xf32, #tpu.memory_space<vmem>>) dst(%dma_wait3A_313 : memref<10112x128xf32, #tpu.memory_space<vmem_shared>>)
      } else {
      }
      %add3A_173 = arith.constant 1 : i32
      %add3A_174 = arith.addi %mul3A_154, %add3A_173 : i32
      %sub3A_175 = arith.constant 1 : i32
      %sub3A_176 = arith.subi %select_n3A, %sub3A_175 : i32
      %min3A_177 = arith.minsi %add3A_174, %sub3A_176 : i32
      %add3A_178 = arith.addi %select_n3A_11, %min3A_177 : i32
      %dma_start3A_179 = arith.constant 0 : i32
      %dma_start3A_180 = tpu.memref_slice %arg5[%add3A_178, %dma_start3A_179] : memref<3392x96xi32, #tpu.memory_space<hbm>> -> memref<1x96xi32, #tpu.memory_space<hbm>>
      %dma_start3A_181 = arith.constant 0 : i32
      %dma_start3A_182 = tpu.memref_slice %arg5[%add3A_178, %dma_start3A_181] : memref<3392x96xi32, #tpu.memory_space<hbm>> -> memref<1x96xi32, #tpu.memory_space<hbm>>
      tpu.enqueue_dma source(%dma_start3A_182 : memref<1x96xi32, #tpu.memory_space<hbm>>) target(%arg11 : memref<1x96xi32, #tpu.memory_space<vmem>>) target_semaphore(%arg19 : memref<!tpu.dma_semaphore, #tpu.memory_space<semaphore_mem>>)
      %dma_wait3A_183 = arith.constant 0 : i32
      %dma_wait3A_184 = arith.constant 0 : i32
      %dma_wait3A_185 = tpu.memref_slice %arg4[%dma_wait3A_183, %dma_wait3A_184] : memref<3392x96xi32, #tpu.memory_space<hbm>> -> memref<1x96xi32, #tpu.memory_space<hbm>>
      %dma_wait3A_186 = arith.constant 0 : i32
      %dma_wait3A_187 = arith.constant 0 : i32
      %dma_wait3A_188 = tpu.memref_slice %arg4[%dma_wait3A_186, %dma_wait3A_187] : memref<3392x96xi32, #tpu.memory_space<hbm>> -> memref<1x96xi32, #tpu.memory_space<hbm>>
      tpu.wait_dma2 semaphore(%arg17 : memref<!tpu.dma_semaphore, #tpu.memory_space<semaphore_mem>>) src(%dma_wait3A_188 : memref<1x96xi32, #tpu.memory_space<hbm>>) dst(%arg9 : memref<1x96xi32, #tpu.memory_space<vmem>>)
      %dma_start3A_189 = arith.constant 0 : i32
      %dma_start3A_190 = arith.constant 0 : i32
      %dma_start3A_191 = tpu.memref_slice %arg9[%dma_start3A_189, %dma_start3A_190] : memref<1x96xi32, #tpu.memory_space<vmem>> -> memref<1x96xi32, #tpu.memory_space<vmem>>
      %dma_start3A_192 = tpu.memref_squeeze %dma_start3A_191 : memref<1x96xi32, #tpu.memory_space<vmem>> -> memref<96xi32, #tpu.memory_space<vmem>>
      %dma_start3A_193 = arith.constant 0 : i32
      %dma_start3A_194 = arith.constant 0 : i32
      %dma_start3A_195 = tpu.memref_slice %arg2[%dma_start3A_193, %dma_start3A_194] : memref<10000x128xf32, #tpu.memory_space<hbm>> -> memref<10000x128xf32, #tpu.memory_space<hbm>>
      tpu.enqueue_indirect_dma source(%dma_start3A_195 : memref<10000x128xf32, #tpu.memory_space<hbm>>) target(%arg13 : memref<96x128xf32, #tpu.memory_space<vmem>>) offsets(%dma_start3A_192 : memref<96xi32, #tpu.memory_space<vmem>>) semaphore(%arg21 : memref<!tpu.dma_semaphore, #tpu.memory_space<semaphore_mem>>)
      %add3A_196 = arith.addi %select_n3A_11, %min3A_177 : i32
      %mul3A_197 = arith.constant 96 : i32
      %mul3A_198 = arith.muli %add3A_196, %mul3A_197 : i32
      %dma_start3A_199 = arith.constant 0 : i32
      %dma_start3A_200 = tpu.memref_slice %arg3[%mul3A_198, %dma_start3A_199] : memref<327680x128xf32, #tpu.memory_space<hbm>> -> memref<96x128xf32, #tpu.memory_space<hbm>>
      %dma_start3A_201 = arith.constant 0 : i32
      %dma_start3A_202 = tpu.memref_slice %arg3[%mul3A_198, %dma_start3A_201] : memref<327680x128xf32, #tpu.memory_space<hbm>> -> memref<96x128xf32, #tpu.memory_space<hbm>>
      tpu.enqueue_dma source(%dma_start3A_202 : memref<96x128xf32, #tpu.memory_space<hbm>>) target(%arg15 : memref<96x128xf32, #tpu.memory_space<vmem>>) target_semaphore(%arg23 : memref<!tpu.dma_semaphore, #tpu.memory_space<semaphore_mem>>)
      %dma_wait3A_203 = arith.constant 0 : i32
      %dma_wait3A_204 = arith.constant 0 : i32
      %dma_wait3A_205 = tpu.memref_slice %arg3[%dma_wait3A_203, %dma_wait3A_204] : memref<327680x128xf32, #tpu.memory_space<hbm>> -> memref<96x128xf32, #tpu.memory_space<hbm>>
      %dma_wait3A_206 = arith.constant 0 : i32
      %dma_wait3A_207 = arith.constant 0 : i32
      %dma_wait3A_208 = tpu.memref_slice %arg3[%dma_wait3A_206, %dma_wait3A_207] : memref<327680x128xf32, #tpu.memory_space<hbm>> -> memref<96x128xf32, #tpu.memory_space<hbm>>
      tpu.wait_dma2 semaphore(%arg22 : memref<!tpu.dma_semaphore, #tpu.memory_space<semaphore_mem>>) src(%dma_wait3A_208 : memref<96x128xf32, #tpu.memory_space<hbm>>) dst(%arg14 : memref<96x128xf32, #tpu.memory_space<vmem>>)
      %scan3A_209 = arith.constant 0 : i32
      %scan3A_210 = arith.constant 96 : i32
      %scan3A_211 = arith.addi %scan3A_209, %scan3A_210 : i32
      %scan3A_212 = arith.constant 1 : i32
      scf.for %scan3A_307 = %scan3A_209 to %scan3A_211 step %scan3A_212  : i32 {
        %mul3A_308 = arith.constant 1 : i32
        %mul3A_309 = arith.muli %scan3A_307, %mul3A_308 : i32
        %add3A_310 = arith.constant 0 : i32
        %add3A_311 = arith.addi %add3A_310, %mul3A_309 : i32
        %get3A = arith.index_cast %add3A_311 : i32 to index
        %get3A_312 = arith.constant 0 : index
        %get3A_313 = tpu.vector_load %arg12[%get3A, %get3A_312] {strides = array<i32>} : memref<96x128xf32, #tpu.memory_space<vmem>>, vector<1x16xf32>,
        %get3A_314 = vector.shape_cast %get3A_313 : vector<1x16xf32> to vector<16xf32>
        %get3A_315 = arith.index_cast %add3A_311 : i32 to index
        %get3A_316 = arith.constant 0 : index
        %get3A_317 = tpu.vector_load %arg14[%get3A_315, %get3A_316] {strides = array<i32>} : memref<96x128xf32, #tpu.memory_space<vmem>>, vector<1x16xf32>,
        %get3A_318 = vector.shape_cast %get3A_317 : vector<1x16xf32> to vector<16xf32>
        %add3A_319 = arith.addf %get3A_314, %get3A_318 : vector<16xf32>
        %max3A = arith.constant 0.000000e+00 : f32
        %max3A_320 = vector.broadcast %max3A : f32 to vector<16xf32>
        %max3A_321 = arith.maximumf %add3A_319, %max3A_320 : vector<16xf32>
        %swap3A = arith.index_cast %add3A_311 : i32 to index
        %swap3A_322 = arith.constant 0 : index
        %swap3A_323 = tpu.vector_load %arg12[%swap3A, %swap3A_322] {strides = array<i32>} : memref<96x128xf32, #tpu.memory_space<vmem>>, vector<1x16xf32>,
        %swap3A_324 = vector.shape_cast %swap3A_323 : vector<1x16xf32> to vector<16xf32>
        %swap3A_325 = vector.shape_cast %max3A_321 : vector<16xf32> to vector<1x16xf32>
        tpu.vector_store %arg12[%swap3A, %swap3A_322], %swap3A_325 {strides = array<i32>} : memref<96x128xf32, #tpu.memory_space<vmem>>, vector<1x16xf32>,
        %get3A_326 = arith.index_cast %add3A_311 : i32 to index
        %get3A_327 = arith.constant 16 : index
        %get3A_328 = tpu.vector_load %arg12[%get3A_326, %get3A_327] {strides = array<i32>} : memref<96x128xf32, #tpu.memory_space<vmem>>, vector<1x16xf32>,
        %get3A_329 = vector.shape_cast %get3A_328 : vector<1x16xf32> to vector<16xf32>
        %get3A_330 = arith.index_cast %add3A_311 : i32 to index
        %get3A_331 = arith.constant 16 : index
        %get3A_332 = tpu.vector_load %arg14[%get3A_330, %get3A_331] {strides = array<i32>} : memref<96x128xf32, #tpu.memory_space<vmem>>, vector<1x16xf32>,
        %get3A_333 = vector.shape_cast %get3A_332 : vector<1x16xf32> to vector<16xf32>
        %add3A_334 = arith.addf %get3A_329, %get3A_333 : vector<16xf32>
        %max3A_335 = arith.constant 0.000000e+00 : f32
        %max3A_336 = vector.broadcast %max3A_335 : f32 to vector<16xf32>
        %max3A_337 = arith.maximumf %add3A_334, %max3A_336 : vector<16xf32>
        %swap3A_338 = arith.index_cast %add3A_311 : i32 to index
        %swap3A_339 = arith.constant 16 : index
        %swap3A_340 = tpu.vector_load %arg12[%swap3A_338, %swap3A_339] {strides = array<i32>} : memref<96x128xf32, #tpu.memory_space<vmem>>, vector<1x16xf32>,
        %swap3A_341 = vector.shape_cast %swap3A_340 : vector<1x16xf32> to vector<16xf32>
        %swap3A_342 = vector.shape_cast %max3A_337 : vector<16xf32> to vector<1x16xf32>
        tpu.vector_store %arg12[%swap3A_338, %swap3A_339], %swap3A_342 {strides = array<i32>} : memref<96x128xf32, #tpu.memory_space<vmem>>, vector<1x16xf32>,
        %get3A_343 = arith.index_cast %add3A_311 : i32 to index
        %get3A_344 = arith.constant 32 : index
        %get3A_345 = tpu.vector_load %arg12[%get3A_343, %get3A_344] {strides = array<i32>} : memref<96x128xf32, #tpu.memory_space<vmem>>, vector<1x16xf32>,
        %get3A_346 = vector.shape_cast %get3A_345 : vector<1x16xf32> to vector<16xf32>
        %get3A_347 = arith.index_cast %add3A_311 : i32 to index
        %get3A_348 = arith.constant 32 : index
        %get3A_349 = tpu.vector_load %arg14[%get3A_347, %get3A_348] {strides = array<i32>} : memref<96x128xf32, #tpu.memory_space<vmem>>, vector<1x16xf32>,
        %get3A_350 = vector.shape_cast %get3A_349 : vector<1x16xf32> to vector<16xf32>
        %add3A_351 = arith.addf %get3A_346, %get3A_350 : vector<16xf32>
        %max3A_352 = arith.constant 0.000000e+00 : f32
        %max3A_353 = vector.broadcast %max3A_352 : f32 to vector<16xf32>
        %max3A_354 = arith.maximumf %add3A_351, %max3A_353 : vector<16xf32>
        %swap3A_355 = arith.index_cast %add3A_311 : i32 to index
        %swap3A_356 = arith.constant 32 : index
        %swap3A_357 = tpu.vector_load %arg12[%swap3A_355, %swap3A_356] {strides = array<i32>} : memref<96x128xf32, #tpu.memory_space<vmem>>, vector<1x16xf32>,
        %swap3A_358 = vector.shape_cast %swap3A_357 : vector<1x16xf32> to vector<16xf32>
        %swap3A_359 = vector.shape_cast %max3A_354 : vector<16xf32> to vector<1x16xf32>
        tpu.vector_store %arg12[%swap3A_355, %swap3A_356], %swap3A_359 {strides = array<i32>} : memref<96x128xf32, #tpu.memory_space<vmem>>, vector<1x16xf32>,
        %get3A_360 = arith.index_cast %add3A_311 : i32 to index
        %get3A_361 = arith.constant 48 : index
        %get3A_362 = tpu.vector_load %arg12[%get3A_360, %get3A_361] {strides = array<i32>} : memref<96x128xf32, #tpu.memory_space<vmem>>, vector<1x16xf32>,
        %get3A_363 = vector.shape_cast %get3A_362 : vector<1x16xf32> to vector<16xf32>
        %get3A_364 = arith.index_cast %add3A_311 : i32 to index
        %get3A_365 = arith.constant 48 : index
        %get3A_366 = tpu.vector_load %arg14[%get3A_364, %get3A_365] {strides = array<i32>} : memref<96x128xf32, #tpu.memory_space<vmem>>, vector<1x16xf32>,
        %get3A_367 = vector.shape_cast %get3A_366 : vector<1x16xf32> to vector<16xf32>
        %add3A_368 = arith.addf %get3A_363, %get3A_367 : vector<16xf32>
        %max3A_369 = arith.constant 0.000000e+00 : f32
        %max3A_370 = vector.broadcast %max3A_369 : f32 to vector<16xf32>
        %max3A_371 = arith.maximumf %add3A_368, %max3A_370 : vector<16xf32>
        %swap3A_372 = arith.index_cast %add3A_311 : i32 to index
        %swap3A_373 = arith.constant 48 : index
        %swap3A_374 = tpu.vector_load %arg12[%swap3A_372, %swap3A_373] {strides = array<i32>} : memref<96x128xf32, #tpu.memory_space<vmem>>, vector<1x16xf32>,
        %swap3A_375 = vector.shape_cast %swap3A_374 : vector<1x16xf32> to vector<16xf32>
        %swap3A_376 = vector.shape_cast %max3A_371 : vector<16xf32> to vector<1x16xf32>
        tpu.vector_store %arg12[%swap3A_372, %swap3A_373], %swap3A_376 {strides = array<i32>} : memref<96x128xf32, #tpu.memory_space<vmem>>, vector<1x16xf32>,
        %get3A_377 = arith.index_cast %add3A_311 : i32 to index
        %get3A_378 = arith.constant 64 : index
        %get3A_379 = tpu.vector_load %arg12[%get3A_377, %get3A_378] {strides = array<i32>} : memref<96x128xf32, #tpu.memory_space<vmem>>, vector<1x16xf32>,
        %get3A_380 = vector.shape_cast %get3A_379 : vector<1x16xf32> to vector<16xf32>
        %get3A_381 = arith.index_cast %add3A_311 : i32 to index
        %get3A_382 = arith.constant 64 : index
        %get3A_383 = tpu.vector_load %arg14[%get3A_381, %get3A_382] {strides = array<i32>} : memref<96x128xf32, #tpu.memory_space<vmem>>, vector<1x16xf32>,
        %get3A_384 = vector.shape_cast %get3A_383 : vector<1x16xf32> to vector<16xf32>
        %add3A_385 = arith.addf %get3A_380, %get3A_384 : vector<16xf32>
        %max3A_386 = arith.constant 0.000000e+00 : f32
        %max3A_387 = vector.broadcast %max3A_386 : f32 to vector<16xf32>
        %max3A_388 = arith.maximumf %add3A_385, %max3A_387 : vector<16xf32>
        %swap3A_389 = arith.index_cast %add3A_311 : i32 to index
        %swap3A_390 = arith.constant 64 : index
        %swap3A_391 = tpu.vector_load %arg12[%swap3A_389, %swap3A_390] {strides = array<i32>} : memref<96x128xf32, #tpu.memory_space<vmem>>, vector<1x16xf32>,
        %swap3A_392 = vector.shape_cast %swap3A_391 : vector<1x16xf32> to vector<16xf32>
        %swap3A_393 = vector.shape_cast %max3A_388 : vector<16xf32> to vector<1x16xf32>
        tpu.vector_store %arg12[%swap3A_389, %swap3A_390], %swap3A_393 {strides = array<i32>} : memref<96x128xf32, #tpu.memory_space<vmem>>, vector<1x16xf32>,
        %get3A_394 = arith.index_cast %add3A_311 : i32 to index
        %get3A_395 = arith.constant 80 : index
        %get3A_396 = tpu.vector_load %arg12[%get3A_394, %get3A_395] {strides = array<i32>} : memref<96x128xf32, #tpu.memory_space<vmem>>, vector<1x16xf32>,
        %get3A_397 = vector.shape_cast %get3A_396 : vector<1x16xf32> to vector<16xf32>
        %get3A_398 = arith.index_cast %add3A_311 : i32 to index
        %get3A_399 = arith.constant 80 : index
        %get3A_400 = tpu.vector_load %arg14[%get3A_398, %get3A_399] {strides = array<i32>} : memref<96x128xf32, #tpu.memory_space<vmem>>, vector<1x16xf32>,
        %get3A_401 = vector.shape_cast %get3A_400 : vector<1x16xf32> to vector<16xf32>
        %add3A_402 = arith.addf %get3A_397, %get3A_401 : vector<16xf32>
        %max3A_403 = arith.constant 0.000000e+00 : f32
        %max3A_404 = vector.broadcast %max3A_403 : f32 to vector<16xf32>
        %max3A_405 = arith.maximumf %add3A_402, %max3A_404 : vector<16xf32>
        %swap3A_406 = arith.index_cast %add3A_311 : i32 to index
        %swap3A_407 = arith.constant 80 : index
        %swap3A_408 = tpu.vector_load %arg12[%swap3A_406, %swap3A_407] {strides = array<i32>} : memref<96x128xf32, #tpu.memory_space<vmem>>, vector<1x16xf32>,
        %swap3A_409 = vector.shape_cast %swap3A_408 : vector<1x16xf32> to vector<16xf32>
        %swap3A_410 = vector.shape_cast %max3A_405 : vector<16xf32> to vector<1x16xf32>
        tpu.vector_store %arg12[%swap3A_406, %swap3A_407], %swap3A_410 {strides = array<i32>} : memref<96x128xf32, #tpu.memory_space<vmem>>, vector<1x16xf32>,
        %get3A_411 = arith.index_cast %add3A_311 : i32 to index
        %get3A_412 = arith.constant 96 : index
        %get3A_413 = tpu.vector_load %arg12[%get3A_411, %get3A_412] {strides = array<i32>} : memref<96x128xf32, #tpu.memory_space<vmem>>, vector<1x16xf32>,
        %get3A_414 = vector.shape_cast %get3A_413 : vector<1x16xf32> to vector<16xf32>
        %get3A_415 = arith.index_cast %add3A_311 : i32 to index
        %get3A_416 = arith.constant 96 : index
        %get3A_417 = tpu.vector_load %arg14[%get3A_415, %get3A_416] {strides = array<i32>} : memref<96x128xf32, #tpu.memory_space<vmem>>, vector<1x16xf32>,
        %get3A_418 = vector.shape_cast %get3A_417 : vector<1x16xf32> to vector<16xf32>
        %add3A_419 = arith.addf %get3A_414, %get3A_418 : vector<16xf32>
        %max3A_420 = arith.constant 0.000000e+00 : f32
        %max3A_421 = vector.broadcast %max3A_420 : f32 to vector<16xf32>
        %max3A_422 = arith.maximumf %add3A_419, %max3A_421 : vector<16xf32>
        %swap3A_423 = arith.index_cast %add3A_311 : i32 to index
        %swap3A_424 = arith.constant 96 : index
        %swap3A_425 = tpu.vector_load %arg12[%swap3A_423, %swap3A_424] {strides = array<i32>} : memref<96x128xf32, #tpu.memory_space<vmem>>, vector<1x16xf32>,
        %swap3A_426 = vector.shape_cast %swap3A_425 : vector<1x16xf32> to vector<16xf32>
        %swap3A_427 = vector.shape_cast %max3A_422 : vector<16xf32> to vector<1x16xf32>
        tpu.vector_store %arg12[%swap3A_423, %swap3A_424], %swap3A_427 {strides = array<i32>} : memref<96x128xf32, #tpu.memory_space<vmem>>, vector<1x16xf32>,
        %get3A_428 = arith.index_cast %add3A_311 : i32 to index
        %get3A_429 = arith.constant 112 : index
        %get3A_430 = tpu.vector_load %arg12[%get3A_428, %get3A_429] {strides = array<i32>} : memref<96x128xf32, #tpu.memory_space<vmem>>, vector<1x16xf32>,
        %get3A_431 = vector.shape_cast %get3A_430 : vector<1x16xf32> to vector<16xf32>
        %get3A_432 = arith.index_cast %add3A_311 : i32 to index
        %get3A_433 = arith.constant 112 : index
        %get3A_434 = tpu.vector_load %arg14[%get3A_432, %get3A_433] {strides = array<i32>} : memref<96x128xf32, #tpu.memory_space<vmem>>, vector<1x16xf32>,
        %get3A_435 = vector.shape_cast %get3A_434 : vector<1x16xf32> to vector<16xf32>
        %add3A_436 = arith.addf %get3A_431, %get3A_435 : vector<16xf32>
        %max3A_437 = arith.constant 0.000000e+00 : f32
        %max3A_438 = vector.broadcast %max3A_437 : f32 to vector<16xf32>
        %max3A_439 = arith.maximumf %add3A_436, %max3A_438 : vector<16xf32>
        %swap3A_440 = arith.index_cast %add3A_311 : i32 to index
        %swap3A_441 = arith.constant 112 : index
        %swap3A_442 = tpu.vector_load %arg12[%swap3A_440, %swap3A_441] {strides = array<i32>} : memref<96x128xf32, #tpu.memory_space<vmem>>, vector<1x16xf32>,
        %swap3A_443 = vector.shape_cast %swap3A_442 : vector<1x16xf32> to vector<16xf32>
        %swap3A_444 = vector.shape_cast %max3A_439 : vector<16xf32> to vector<1x16xf32>
        tpu.vector_store %arg12[%swap3A_440, %swap3A_441], %swap3A_444 {strides = array<i32>} : memref<96x128xf32, #tpu.memory_space<vmem>>, vector<1x16xf32>,
      }
      %scan3A_213 = arith.constant 96 : i32
      %dma_wait3A_214 = arith.constant 0 : i32
      %dma_wait3A_215 = arith.constant 0 : i32
      %dma_wait3A_216 = tpu.memref_slice %arg5[%dma_wait3A_214, %dma_wait3A_215] : memref<3392x96xi32, #tpu.memory_space<hbm>> -> memref<1x96xi32, #tpu.memory_space<hbm>>
      %dma_wait3A_217 = arith.constant 0 : i32
      %dma_wait3A_218 = arith.constant 0 : i32
      %dma_wait3A_219 = tpu.memref_slice %arg5[%dma_wait3A_217, %dma_wait3A_218] : memref<3392x96xi32, #tpu.memory_space<hbm>> -> memref<1x96xi32, #tpu.memory_space<hbm>>
      tpu.wait_dma2 semaphore(%arg18 : memref<!tpu.dma_semaphore, #tpu.memory_space<semaphore_mem>>) src(%dma_wait3A_219 : memref<1x96xi32, #tpu.memory_space<hbm>>) dst(%arg10 : memref<1x96xi32, #tpu.memory_space<vmem>>)
      %dma_start3A_220 = arith.constant 0 : i32
      %dma_start3A_221 = arith.constant 0 : i32
      %dma_start3A_222 = tpu.memref_slice %arg10[%dma_start3A_220, %dma_start3A_221] : memref<1x96xi32, #tpu.memory_space<vmem>> -> memref<1x96xi32, #tpu.memory_space<vmem>>
      %dma_start3A_223 = tpu.memref_squeeze %dma_start3A_222 : memref<1x96xi32, #tpu.memory_space<vmem>> -> memref<96xi32, #tpu.memory_space<vmem>>
      %dma_start3A_224 = arith.constant 0 : i32
      %dma_start3A_225 = arith.constant 0 : i32
      %dma_start3A_226 = tpu.memref_slice %arg7[%dma_start3A_224, %dma_start3A_225] : memref<10112x128xf32, #tpu.memory_space<vmem_shared>> -> memref<10112x128xf32, #tpu.memory_space<vmem_shared>>
      tpu.enqueue_indirect_dma source(%arg12 : memref<96x128xf32, #tpu.memory_space<vmem>>) target(%dma_start3A_226 : memref<10112x128xf32, #tpu.memory_space<vmem_shared>>) offsets(%dma_start3A_223 : memref<96xi32, #tpu.memory_space<vmem>>) semaphore(%arg24 : memref<!tpu.dma_semaphore, #tpu.memory_space<semaphore_mem>>) {add = true}
      %mul3A_227 = arith.constant 2 : i32
      %mul3A_228 = arith.muli %mul3A_227, %add3A_152 : i32
      %add3A_229 = arith.constant 1 : i32
      %add3A_230 = arith.addi %mul3A_228, %add3A_229 : i32
      %dma_wait3A_231 = arith.constant 0 : i32
      %dma_wait3A_232 = arith.constant 0 : i32
      %dma_wait3A_233 = tpu.memref_slice %arg9[%dma_wait3A_231, %dma_wait3A_232] : memref<1x96xi32, #tpu.memory_space<vmem>> -> memref<1x96xi32, #tpu.memory_space<vmem>>
      %dma_wait3A_234 = tpu.memref_squeeze %dma_wait3A_233 : memref<1x96xi32, #tpu.memory_space<vmem>> -> memref<96xi32, #tpu.memory_space<vmem>>
      %dma_wait3A_235 = arith.constant 0 : i32
      %dma_wait3A_236 = arith.constant 0 : i32
      %dma_wait3A_237 = tpu.memref_slice %arg2[%dma_wait3A_235, %dma_wait3A_236] : memref<10000x128xf32, #tpu.memory_space<hbm>> -> memref<10000x128xf32, #tpu.memory_space<hbm>>
      tpu.wait_indirect_dma semaphore(%arg21 : memref<!tpu.dma_semaphore, #tpu.memory_space<semaphore_mem>>) src(%dma_wait3A_237 : memref<10000x128xf32, #tpu.memory_space<hbm>>) dst(%arg13 : memref<96x128xf32, #tpu.memory_space<vmem>>)
      %add3A_238 = arith.constant 2 : i32
      %add3A_239 = arith.addi %add3A_230, %add3A_238 : i32
      %sub3A_240 = arith.constant 1 : i32
      %sub3A_241 = arith.subi %select_n3A, %sub3A_240 : i32
      %min3A_242 = arith.minsi %add3A_239, %sub3A_241 : i32
      %add3A_243 = arith.addi %select_n3A_11, %min3A_242 : i32
      %dma_start3A_244 = arith.constant 0 : i32
      %dma_start3A_245 = tpu.memref_slice %arg4[%add3A_243, %dma_start3A_244] : memref<3392x96xi32, #tpu.memory_space<hbm>> -> memref<1x96xi32, #tpu.memory_space<hbm>>
      %dma_start3A_246 = arith.constant 0 : i32
      %dma_start3A_247 = tpu.memref_slice %arg4[%add3A_243, %dma_start3A_246] : memref<3392x96xi32, #tpu.memory_space<hbm>> -> memref<1x96xi32, #tpu.memory_space<hbm>>
      tpu.enqueue_dma source(%dma_start3A_247 : memref<1x96xi32, #tpu.memory_space<hbm>>) target(%arg9 : memref<1x96xi32, #tpu.memory_space<vmem>>) target_semaphore(%arg17 : memref<!tpu.dma_semaphore, #tpu.memory_space<semaphore_mem>>)
      %gt3A_248 = arith.constant 0 : i32
      %gt3A_249 = arith.cmpi sgt, %add3A_230, %gt3A_248 : i32
      %convert_element_type3A_250 = arith.extui %gt3A_249 : i1 to i32
      %cond3A_251 = arith.constant 0 : i32
      %cond3A_252 = arith.cmpi ne, %convert_element_type3A_250, %cond3A_251 : i32
      scf.if %cond3A_252 {
        %dma_wait3A_307 = arith.constant 0 : i32
        %dma_wait3A_308 = arith.constant 0 : i32
        %dma_wait3A_309 = tpu.memref_slice %arg10[%dma_wait3A_307, %dma_wait3A_308] : memref<1x96xi32, #tpu.memory_space<vmem>> -> memref<1x96xi32, #tpu.memory_space<vmem>>
        %dma_wait3A_310 = tpu.memref_squeeze %dma_wait3A_309 : memref<1x96xi32, #tpu.memory_space<vmem>> -> memref<96xi32, #tpu.memory_space<vmem>>
        %dma_wait3A_311 = arith.constant 0 : i32
        %dma_wait3A_312 = arith.constant 0 : i32
        %dma_wait3A_313 = tpu.memref_slice %arg7[%dma_wait3A_311, %dma_wait3A_312] : memref<10112x128xf32, #tpu.memory_space<vmem_shared>> -> memref<10112x128xf32, #tpu.memory_space<vmem_shared>>
        tpu.wait_indirect_dma semaphore(%arg24 : memref<!tpu.dma_semaphore, #tpu.memory_space<semaphore_mem>>) src(%arg12 : memref<96x128xf32, #tpu.memory_space<vmem>>) dst(%dma_wait3A_313 : memref<10112x128xf32, #tpu.memory_space<vmem_shared>>)
      } else {
      }
      %add3A_253 = arith.constant 1 : i32
      %add3A_254 = arith.addi %add3A_230, %add3A_253 : i32
      %sub3A_255 = arith.constant 1 : i32
      %sub3A_256 = arith.subi %select_n3A, %sub3A_255 : i32
      %min3A_257 = arith.minsi %add3A_254, %sub3A_256 : i32
      %add3A_258 = arith.addi %select_n3A_11, %min3A_257 : i32
      %dma_start3A_259 = arith.constant 0 : i32
      %dma_start3A_260 = tpu.memref_slice %arg5[%add3A_258, %dma_start3A_259] : memref<3392x96xi32, #tpu.memory_space<hbm>> -> memref<1x96xi32, #tpu.memory_space<hbm>>
      %dma_start3A_261 = arith.constant 0 : i32
      %dma_start3A_262 = tpu.memref_slice %arg5[%add3A_258, %dma_start3A_261] : memref<3392x96xi32, #tpu.memory_space<hbm>> -> memref<1x96xi32, #tpu.memory_space<hbm>>
      tpu.enqueue_dma source(%dma_start3A_262 : memref<1x96xi32, #tpu.memory_space<hbm>>) target(%arg10 : memref<1x96xi32, #tpu.memory_space<vmem>>) target_semaphore(%arg18 : memref<!tpu.dma_semaphore, #tpu.memory_space<semaphore_mem>>)
      %dma_wait3A_263 = arith.constant 0 : i32
      %dma_wait3A_264 = arith.constant 0 : i32
      %dma_wait3A_265 = tpu.memref_slice %arg4[%dma_wait3A_263, %dma_wait3A_264] : memref<3392x96xi32, #tpu.memory_space<hbm>> -> memref<1x96xi32, #tpu.memory_space<hbm>>
      %dma_wait3A_266 = arith.constant 0 : i32
      %dma_wait3A_267 = arith.constant 0 : i32
      %dma_wait3A_268 = tpu.memref_slice %arg4[%dma_wait3A_266, %dma_wait3A_267] : memref<3392x96xi32, #tpu.memory_space<hbm>> -> memref<1x96xi32, #tpu.memory_space<hbm>>
      tpu.wait_dma2 semaphore(%arg16 : memref<!tpu.dma_semaphore, #tpu.memory_space<semaphore_mem>>) src(%dma_wait3A_268 : memref<1x96xi32, #tpu.memory_space<hbm>>) dst(%arg8 : memref<1x96xi32, #tpu.memory_space<vmem>>)
      %dma_start3A_269 = arith.constant 0 : i32
      %dma_start3A_270 = arith.constant 0 : i32
      %dma_start3A_271 = tpu.memref_slice %arg8[%dma_start3A_269, %dma_start3A_270] : memref<1x96xi32, #tpu.memory_space<vmem>> -> memref<1x96xi32, #tpu.memory_space<vmem>>
      %dma_start3A_272 = tpu.memref_squeeze %dma_start3A_271 : memref<1x96xi32, #tpu.memory_space<vmem>> -> memref<96xi32, #tpu.memory_space<vmem>>
      %dma_start3A_273 = arith.constant 0 : i32
      %dma_start3A_274 = arith.constant 0 : i32
      %dma_start3A_275 = tpu.memref_slice %arg2[%dma_start3A_273, %dma_start3A_274] : memref<10000x128xf32, #tpu.memory_space<hbm>> -> memref<10000x128xf32, #tpu.memory_space<hbm>>
      tpu.enqueue_indirect_dma source(%dma_start3A_275 : memref<10000x128xf32, #tpu.memory_space<hbm>>) target(%arg12 : memref<96x128xf32, #tpu.memory_space<vmem>>) offsets(%dma_start3A_272 : memref<96xi32, #tpu.memory_space<vmem>>) semaphore(%arg20 : memref<!tpu.dma_semaphore, #tpu.memory_space<semaphore_mem>>)
      %add3A_276 = arith.addi %select_n3A_11, %min3A_257 : i32
      %mul3A_277 = arith.constant 96 : i32
      %mul3A_278 = arith.muli %add3A_276, %mul3A_277 : i32
      %dma_start3A_279 = arith.constant 0 : i32
      %dma_start3A_280 = tpu.memref_slice %arg3[%mul3A_278, %dma_start3A_279] : memref<327680x128xf32, #tpu.memory_space<hbm>> -> memref<96x128xf32, #tpu.memory_space<hbm>>
      %dma_start3A_281 = arith.constant 0 : i32
      %dma_start3A_282 = tpu.memref_slice %arg3[%mul3A_278, %dma_start3A_281] : memref<327680x128xf32, #tpu.memory_space<hbm>> -> memref<96x128xf32, #tpu.memory_space<hbm>>
      tpu.enqueue_dma source(%dma_start3A_282 : memref<96x128xf32, #tpu.memory_space<hbm>>) target(%arg14 : memref<96x128xf32, #tpu.memory_space<vmem>>) target_semaphore(%arg22 : memref<!tpu.dma_semaphore, #tpu.memory_space<semaphore_mem>>)
      %dma_wait3A_283 = arith.constant 0 : i32
      %dma_wait3A_284 = arith.constant 0 : i32
      %dma_wait3A_285 = tpu.memref_slice %arg3[%dma_wait3A_283, %dma_wait3A_284] : memref<327680x128xf32, #tpu.memory_space<hbm>> -> memref<96x128xf32, #tpu.memory_space<hbm>>
      %dma_wait3A_286 = arith.constant 0 : i32
      %dma_wait3A_287 = arith.constant 0 : i32
      %dma_wait3A_288 = tpu.memref_slice %arg3[%dma_wait3A_286, %dma_wait3A_287] : memref<327680x128xf32, #tpu.memory_space<hbm>> -> memref<96x128xf32, #tpu.memory_space<hbm>>
      tpu.wait_dma2 semaphore(%arg23 : memref<!tpu.dma_semaphore, #tpu.memory_space<semaphore_mem>>) src(%dma_wait3A_288 : memref<96x128xf32, #tpu.memory_space<hbm>>) dst(%arg15 : memref<96x128xf32, #tpu.memory_space<vmem>>)
      %scan3A_289 = arith.constant 0 : i32
      %scan3A_290 = arith.constant 96 : i32
      %scan3A_291 = arith.addi %scan3A_289, %scan3A_290 : i32
      %scan3A_292 = arith.constant 1 : i32
      scf.for %scan3A_307 = %scan3A_289 to %scan3A_291 step %scan3A_292  : i32 {
        %mul3A_308 = arith.constant 1 : i32
        %mul3A_309 = arith.muli %scan3A_307, %mul3A_308 : i32
        %add3A_310 = arith.constant 0 : i32
        %add3A_311 = arith.addi %add3A_310, %mul3A_309 : i32
        %get3A = arith.index_cast %add3A_311 : i32 to index
        %get3A_312 = arith.constant 0 : index
        %get3A_313 = tpu.vector_load %arg13[%get3A, %get3A_312] {strides = array<i32>} : memref<96x128xf32, #tpu.memory_space<vmem>>, vector<1x16xf32>,
        %get3A_314 = vector.shape_cast %get3A_313 : vector<1x16xf32> to vector<16xf32>
        %get3A_315 = arith.index_cast %add3A_311 : i32 to index
        %get3A_316 = arith.constant 0 : index
        %get3A_317 = tpu.vector_load %arg15[%get3A_315, %get3A_316] {strides = array<i32>} : memref<96x128xf32, #tpu.memory_space<vmem>>, vector<1x16xf32>,
        %get3A_318 = vector.shape_cast %get3A_317 : vector<1x16xf32> to vector<16xf32>
        %add3A_319 = arith.addf %get3A_314, %get3A_318 : vector<16xf32>
        %max3A = arith.constant 0.000000e+00 : f32
        %max3A_320 = vector.broadcast %max3A : f32 to vector<16xf32>
        %max3A_321 = arith.maximumf %add3A_319, %max3A_320 : vector<16xf32>
        %swap3A = arith.index_cast %add3A_311 : i32 to index
        %swap3A_322 = arith.constant 0 : index
        %swap3A_323 = tpu.vector_load %arg13[%swap3A, %swap3A_322] {strides = array<i32>} : memref<96x128xf32, #tpu.memory_space<vmem>>, vector<1x16xf32>,
        %swap3A_324 = vector.shape_cast %swap3A_323 : vector<1x16xf32> to vector<16xf32>
        %swap3A_325 = vector.shape_cast %max3A_321 : vector<16xf32> to vector<1x16xf32>
        tpu.vector_store %arg13[%swap3A, %swap3A_322], %swap3A_325 {strides = array<i32>} : memref<96x128xf32, #tpu.memory_space<vmem>>, vector<1x16xf32>,
        %get3A_326 = arith.index_cast %add3A_311 : i32 to index
        %get3A_327 = arith.constant 16 : index
        %get3A_328 = tpu.vector_load %arg13[%get3A_326, %get3A_327] {strides = array<i32>} : memref<96x128xf32, #tpu.memory_space<vmem>>, vector<1x16xf32>,
        %get3A_329 = vector.shape_cast %get3A_328 : vector<1x16xf32> to vector<16xf32>
        %get3A_330 = arith.index_cast %add3A_311 : i32 to index
        %get3A_331 = arith.constant 16 : index
        %get3A_332 = tpu.vector_load %arg15[%get3A_330, %get3A_331] {strides = array<i32>} : memref<96x128xf32, #tpu.memory_space<vmem>>, vector<1x16xf32>,
        %get3A_333 = vector.shape_cast %get3A_332 : vector<1x16xf32> to vector<16xf32>
        %add3A_334 = arith.addf %get3A_329, %get3A_333 : vector<16xf32>
        %max3A_335 = arith.constant 0.000000e+00 : f32
        %max3A_336 = vector.broadcast %max3A_335 : f32 to vector<16xf32>
        %max3A_337 = arith.maximumf %add3A_334, %max3A_336 : vector<16xf32>
        %swap3A_338 = arith.index_cast %add3A_311 : i32 to index
        %swap3A_339 = arith.constant 16 : index
        %swap3A_340 = tpu.vector_load %arg13[%swap3A_338, %swap3A_339] {strides = array<i32>} : memref<96x128xf32, #tpu.memory_space<vmem>>, vector<1x16xf32>,
        %swap3A_341 = vector.shape_cast %swap3A_340 : vector<1x16xf32> to vector<16xf32>
        %swap3A_342 = vector.shape_cast %max3A_337 : vector<16xf32> to vector<1x16xf32>
        tpu.vector_store %arg13[%swap3A_338, %swap3A_339], %swap3A_342 {strides = array<i32>} : memref<96x128xf32, #tpu.memory_space<vmem>>, vector<1x16xf32>,
        %get3A_343 = arith.index_cast %add3A_311 : i32 to index
        %get3A_344 = arith.constant 32 : index
        %get3A_345 = tpu.vector_load %arg13[%get3A_343, %get3A_344] {strides = array<i32>} : memref<96x128xf32, #tpu.memory_space<vmem>>, vector<1x16xf32>,
        %get3A_346 = vector.shape_cast %get3A_345 : vector<1x16xf32> to vector<16xf32>
        %get3A_347 = arith.index_cast %add3A_311 : i32 to index
        %get3A_348 = arith.constant 32 : index
        %get3A_349 = tpu.vector_load %arg15[%get3A_347, %get3A_348] {strides = array<i32>} : memref<96x128xf32, #tpu.memory_space<vmem>>, vector<1x16xf32>,
        %get3A_350 = vector.shape_cast %get3A_349 : vector<1x16xf32> to vector<16xf32>
        %add3A_351 = arith.addf %get3A_346, %get3A_350 : vector<16xf32>
        %max3A_352 = arith.constant 0.000000e+00 : f32
        %max3A_353 = vector.broadcast %max3A_352 : f32 to vector<16xf32>
        %max3A_354 = arith.maximumf %add3A_351, %max3A_353 : vector<16xf32>
        %swap3A_355 = arith.index_cast %add3A_311 : i32 to index
        %swap3A_356 = arith.constant 32 : index
        %swap3A_357 = tpu.vector_load %arg13[%swap3A_355, %swap3A_356] {strides = array<i32>} : memref<96x128xf32, #tpu.memory_space<vmem>>, vector<1x16xf32>,
        %swap3A_358 = vector.shape_cast %swap3A_357 : vector<1x16xf32> to vector<16xf32>
        %swap3A_359 = vector.shape_cast %max3A_354 : vector<16xf32> to vector<1x16xf32>
        tpu.vector_store %arg13[%swap3A_355, %swap3A_356], %swap3A_359 {strides = array<i32>} : memref<96x128xf32, #tpu.memory_space<vmem>>, vector<1x16xf32>,
        %get3A_360 = arith.index_cast %add3A_311 : i32 to index
        %get3A_361 = arith.constant 48 : index
        %get3A_362 = tpu.vector_load %arg13[%get3A_360, %get3A_361] {strides = array<i32>} : memref<96x128xf32, #tpu.memory_space<vmem>>, vector<1x16xf32>,
        %get3A_363 = vector.shape_cast %get3A_362 : vector<1x16xf32> to vector<16xf32>
        %get3A_364 = arith.index_cast %add3A_311 : i32 to index
        %get3A_365 = arith.constant 48 : index
        %get3A_366 = tpu.vector_load %arg15[%get3A_364, %get3A_365] {strides = array<i32>} : memref<96x128xf32, #tpu.memory_space<vmem>>, vector<1x16xf32>,
        %get3A_367 = vector.shape_cast %get3A_366 : vector<1x16xf32> to vector<16xf32>
        %add3A_368 = arith.addf %get3A_363, %get3A_367 : vector<16xf32>
        %max3A_369 = arith.constant 0.000000e+00 : f32
        %max3A_370 = vector.broadcast %max3A_369 : f32 to vector<16xf32>
        %max3A_371 = arith.maximumf %add3A_368, %max3A_370 : vector<16xf32>
        %swap3A_372 = arith.index_cast %add3A_311 : i32 to index
        %swap3A_373 = arith.constant 48 : index
        %swap3A_374 = tpu.vector_load %arg13[%swap3A_372, %swap3A_373] {strides = array<i32>} : memref<96x128xf32, #tpu.memory_space<vmem>>, vector<1x16xf32>,
        %swap3A_375 = vector.shape_cast %swap3A_374 : vector<1x16xf32> to vector<16xf32>
        %swap3A_376 = vector.shape_cast %max3A_371 : vector<16xf32> to vector<1x16xf32>
        tpu.vector_store %arg13[%swap3A_372, %swap3A_373], %swap3A_376 {strides = array<i32>} : memref<96x128xf32, #tpu.memory_space<vmem>>, vector<1x16xf32>,
        %get3A_377 = arith.index_cast %add3A_311 : i32 to index
        %get3A_378 = arith.constant 64 : index
        %get3A_379 = tpu.vector_load %arg13[%get3A_377, %get3A_378] {strides = array<i32>} : memref<96x128xf32, #tpu.memory_space<vmem>>, vector<1x16xf32>,
        %get3A_380 = vector.shape_cast %get3A_379 : vector<1x16xf32> to vector<16xf32>
        %get3A_381 = arith.index_cast %add3A_311 : i32 to index
        %get3A_382 = arith.constant 64 : index
        %get3A_383 = tpu.vector_load %arg15[%get3A_381, %get3A_382] {strides = array<i32>} : memref<96x128xf32, #tpu.memory_space<vmem>>, vector<1x16xf32>,
        %get3A_384 = vector.shape_cast %get3A_383 : vector<1x16xf32> to vector<16xf32>
        %add3A_385 = arith.addf %get3A_380, %get3A_384 : vector<16xf32>
        %max3A_386 = arith.constant 0.000000e+00 : f32
        %max3A_387 = vector.broadcast %max3A_386 : f32 to vector<16xf32>
        %max3A_388 = arith.maximumf %add3A_385, %max3A_387 : vector<16xf32>
        %swap3A_389 = arith.index_cast %add3A_311 : i32 to index
        %swap3A_390 = arith.constant 64 : index
        %swap3A_391 = tpu.vector_load %arg13[%swap3A_389, %swap3A_390] {strides = array<i32>} : memref<96x128xf32, #tpu.memory_space<vmem>>, vector<1x16xf32>,
        %swap3A_392 = vector.shape_cast %swap3A_391 : vector<1x16xf32> to vector<16xf32>
        %swap3A_393 = vector.shape_cast %max3A_388 : vector<16xf32> to vector<1x16xf32>
        tpu.vector_store %arg13[%swap3A_389, %swap3A_390], %swap3A_393 {strides = array<i32>} : memref<96x128xf32, #tpu.memory_space<vmem>>, vector<1x16xf32>,
        %get3A_394 = arith.index_cast %add3A_311 : i32 to index
        %get3A_395 = arith.constant 80 : index
        %get3A_396 = tpu.vector_load %arg13[%get3A_394, %get3A_395] {strides = array<i32>} : memref<96x128xf32, #tpu.memory_space<vmem>>, vector<1x16xf32>,
        %get3A_397 = vector.shape_cast %get3A_396 : vector<1x16xf32> to vector<16xf32>
        %get3A_398 = arith.index_cast %add3A_311 : i32 to index
        %get3A_399 = arith.constant 80 : index
        %get3A_400 = tpu.vector_load %arg15[%get3A_398, %get3A_399] {strides = array<i32>} : memref<96x128xf32, #tpu.memory_space<vmem>>, vector<1x16xf32>,
        %get3A_401 = vector.shape_cast %get3A_400 : vector<1x16xf32> to vector<16xf32>
        %add3A_402 = arith.addf %get3A_397, %get3A_401 : vector<16xf32>
        %max3A_403 = arith.constant 0.000000e+00 : f32
        %max3A_404 = vector.broadcast %max3A_403 : f32 to vector<16xf32>
        %max3A_405 = arith.maximumf %add3A_402, %max3A_404 : vector<16xf32>
        %swap3A_406 = arith.index_cast %add3A_311 : i32 to index
        %swap3A_407 = arith.constant 80 : index
        %swap3A_408 = tpu.vector_load %arg13[%swap3A_406, %swap3A_407] {strides = array<i32>} : memref<96x128xf32, #tpu.memory_space<vmem>>, vector<1x16xf32>,
        %swap3A_409 = vector.shape_cast %swap3A_408 : vector<1x16xf32> to vector<16xf32>
        %swap3A_410 = vector.shape_cast %max3A_405 : vector<16xf32> to vector<1x16xf32>
        tpu.vector_store %arg13[%swap3A_406, %swap3A_407], %swap3A_410 {strides = array<i32>} : memref<96x128xf32, #tpu.memory_space<vmem>>, vector<1x16xf32>,
        %get3A_411 = arith.index_cast %add3A_311 : i32 to index
        %get3A_412 = arith.constant 96 : index
        %get3A_413 = tpu.vector_load %arg13[%get3A_411, %get3A_412] {strides = array<i32>} : memref<96x128xf32, #tpu.memory_space<vmem>>, vector<1x16xf32>,
        %get3A_414 = vector.shape_cast %get3A_413 : vector<1x16xf32> to vector<16xf32>
        %get3A_415 = arith.index_cast %add3A_311 : i32 to index
        %get3A_416 = arith.constant 96 : index
        %get3A_417 = tpu.vector_load %arg15[%get3A_415, %get3A_416] {strides = array<i32>} : memref<96x128xf32, #tpu.memory_space<vmem>>, vector<1x16xf32>,
        %get3A_418 = vector.shape_cast %get3A_417 : vector<1x16xf32> to vector<16xf32>
        %add3A_419 = arith.addf %get3A_414, %get3A_418 : vector<16xf32>
        %max3A_420 = arith.constant 0.000000e+00 : f32
        %max3A_421 = vector.broadcast %max3A_420 : f32 to vector<16xf32>
        %max3A_422 = arith.maximumf %add3A_419, %max3A_421 : vector<16xf32>
        %swap3A_423 = arith.index_cast %add3A_311 : i32 to index
        %swap3A_424 = arith.constant 96 : index
        %swap3A_425 = tpu.vector_load %arg13[%swap3A_423, %swap3A_424] {strides = array<i32>} : memref<96x128xf32, #tpu.memory_space<vmem>>, vector<1x16xf32>,
        %swap3A_426 = vector.shape_cast %swap3A_425 : vector<1x16xf32> to vector<16xf32>
        %swap3A_427 = vector.shape_cast %max3A_422 : vector<16xf32> to vector<1x16xf32>
        tpu.vector_store %arg13[%swap3A_423, %swap3A_424], %swap3A_427 {strides = array<i32>} : memref<96x128xf32, #tpu.memory_space<vmem>>, vector<1x16xf32>,
        %get3A_428 = arith.index_cast %add3A_311 : i32 to index
        %get3A_429 = arith.constant 112 : index
        %get3A_430 = tpu.vector_load %arg13[%get3A_428, %get3A_429] {strides = array<i32>} : memref<96x128xf32, #tpu.memory_space<vmem>>, vector<1x16xf32>,
        %get3A_431 = vector.shape_cast %get3A_430 : vector<1x16xf32> to vector<16xf32>
        %get3A_432 = arith.index_cast %add3A_311 : i32 to index
        %get3A_433 = arith.constant 112 : index
        %get3A_434 = tpu.vector_load %arg15[%get3A_432, %get3A_433] {strides = array<i32>} : memref<96x128xf32, #tpu.memory_space<vmem>>, vector<1x16xf32>,
        %get3A_435 = vector.shape_cast %get3A_434 : vector<1x16xf32> to vector<16xf32>
        %add3A_436 = arith.addf %get3A_431, %get3A_435 : vector<16xf32>
        %max3A_437 = arith.constant 0.000000e+00 : f32
        %max3A_438 = vector.broadcast %max3A_437 : f32 to vector<16xf32>
        %max3A_439 = arith.maximumf %add3A_436, %max3A_438 : vector<16xf32>
        %swap3A_440 = arith.index_cast %add3A_311 : i32 to index
        %swap3A_441 = arith.constant 112 : index
        %swap3A_442 = tpu.vector_load %arg13[%swap3A_440, %swap3A_441] {strides = array<i32>} : memref<96x128xf32, #tpu.memory_space<vmem>>, vector<1x16xf32>,
        %swap3A_443 = vector.shape_cast %swap3A_442 : vector<1x16xf32> to vector<16xf32>
        %swap3A_444 = vector.shape_cast %max3A_439 : vector<16xf32> to vector<1x16xf32>
        tpu.vector_store %arg13[%swap3A_440, %swap3A_441], %swap3A_444 {strides = array<i32>} : memref<96x128xf32, #tpu.memory_space<vmem>>, vector<1x16xf32>,
      }
      %scan3A_293 = arith.constant 96 : i32
      %dma_wait3A_294 = arith.constant 0 : i32
      %dma_wait3A_295 = arith.constant 0 : i32
      %dma_wait3A_296 = tpu.memref_slice %arg5[%dma_wait3A_294, %dma_wait3A_295] : memref<3392x96xi32, #tpu.memory_space<hbm>> -> memref<1x96xi32, #tpu.memory_space<hbm>>
      %dma_wait3A_297 = arith.constant 0 : i32
      %dma_wait3A_298 = arith.constant 0 : i32
      %dma_wait3A_299 = tpu.memref_slice %arg5[%dma_wait3A_297, %dma_wait3A_298] : memref<3392x96xi32, #tpu.memory_space<hbm>> -> memref<1x96xi32, #tpu.memory_space<hbm>>
      tpu.wait_dma2 semaphore(%arg19 : memref<!tpu.dma_semaphore, #tpu.memory_space<semaphore_mem>>) src(%dma_wait3A_299 : memref<1x96xi32, #tpu.memory_space<hbm>>) dst(%arg11 : memref<1x96xi32, #tpu.memory_space<vmem>>)
      %dma_start3A_300 = arith.constant 0 : i32
      %dma_start3A_301 = arith.constant 0 : i32
      %dma_start3A_302 = tpu.memref_slice %arg11[%dma_start3A_300, %dma_start3A_301] : memref<1x96xi32, #tpu.memory_space<vmem>> -> memref<1x96xi32, #tpu.memory_space<vmem>>
      %dma_start3A_303 = tpu.memref_squeeze %dma_start3A_302 : memref<1x96xi32, #tpu.memory_space<vmem>> -> memref<96xi32, #tpu.memory_space<vmem>>
      %dma_start3A_304 = arith.constant 0 : i32
      %dma_start3A_305 = arith.constant 0 : i32
      %dma_start3A_306 = tpu.memref_slice %arg7[%dma_start3A_304, %dma_start3A_305] : memref<10112x128xf32, #tpu.memory_space<vmem_shared>> -> memref<10112x128xf32, #tpu.memory_space<vmem_shared>>
      tpu.enqueue_indirect_dma source(%arg13 : memref<96x128xf32, #tpu.memory_space<vmem>>) target(%dma_start3A_306 : memref<10112x128xf32, #tpu.memory_space<vmem_shared>>) offsets(%dma_start3A_303 : memref<96xi32, #tpu.memory_space<vmem>>) semaphore(%arg25 : memref<!tpu.dma_semaphore, #tpu.memory_space<semaphore_mem>>) {add = true}
    }
    %dma_wait3A_110 = arith.constant 0 : i32
    %dma_wait3A_111 = arith.constant 0 : i32
    %dma_wait3A_112 = tpu.memref_slice %arg8[%dma_wait3A_110, %dma_wait3A_111] : memref<1x96xi32, #tpu.memory_space<vmem>> -> memref<1x96xi32, #tpu.memory_space<vmem>>
    %dma_wait3A_113 = tpu.memref_squeeze %dma_wait3A_112 : memref<1x96xi32, #tpu.memory_space<vmem>> -> memref<96xi32, #tpu.memory_space<vmem>>
    %dma_wait3A_114 = arith.constant 0 : i32
    %dma_wait3A_115 = arith.constant 0 : i32
    %dma_wait3A_116 = tpu.memref_slice %arg2[%dma_wait3A_114, %dma_wait3A_115] : memref<10000x128xf32, #tpu.memory_space<hbm>> -> memref<10000x128xf32, #tpu.memory_space<hbm>>
    tpu.wait_indirect_dma semaphore(%arg20 : memref<!tpu.dma_semaphore, #tpu.memory_space<semaphore_mem>>) src(%dma_wait3A_116 : memref<10000x128xf32, #tpu.memory_space<hbm>>) dst(%arg12 : memref<96x128xf32, #tpu.memory_space<vmem>>)
    %dma_wait3A_117 = arith.constant 0 : i32
    %dma_wait3A_118 = arith.constant 0 : i32
    %dma_wait3A_119 = tpu.memref_slice %arg3[%dma_wait3A_117, %dma_wait3A_118] : memref<327680x128xf32, #tpu.memory_space<hbm>> -> memref<96x128xf32, #tpu.memory_space<hbm>>
    %dma_wait3A_120 = arith.constant 0 : i32
    %dma_wait3A_121 = arith.constant 0 : i32
    %dma_wait3A_122 = tpu.memref_slice %arg3[%dma_wait3A_120, %dma_wait3A_121] : memref<327680x128xf32, #tpu.memory_space<hbm>> -> memref<96x128xf32, #tpu.memory_space<hbm>>
    tpu.wait_dma2 semaphore(%arg22 : memref<!tpu.dma_semaphore, #tpu.memory_space<semaphore_mem>>) src(%dma_wait3A_122 : memref<96x128xf32, #tpu.memory_space<hbm>>) dst(%arg14 : memref<96x128xf32, #tpu.memory_space<vmem>>)
    %dma_wait3A_123 = arith.constant 0 : i32
    %dma_wait3A_124 = arith.constant 0 : i32
    %dma_wait3A_125 = tpu.memref_slice %arg4[%dma_wait3A_123, %dma_wait3A_124] : memref<3392x96xi32, #tpu.memory_space<hbm>> -> memref<1x96xi32, #tpu.memory_space<hbm>>
    %dma_wait3A_126 = arith.constant 0 : i32
    %dma_wait3A_127 = arith.constant 0 : i32
    %dma_wait3A_128 = tpu.memref_slice %arg4[%dma_wait3A_126, %dma_wait3A_127] : memref<3392x96xi32, #tpu.memory_space<hbm>> -> memref<1x96xi32, #tpu.memory_space<hbm>>
    tpu.wait_dma2 semaphore(%arg17 : memref<!tpu.dma_semaphore, #tpu.memory_space<semaphore_mem>>) src(%dma_wait3A_128 : memref<1x96xi32, #tpu.memory_space<hbm>>) dst(%arg9 : memref<1x96xi32, #tpu.memory_space<vmem>>)
    %dma_wait3A_129 = arith.constant 0 : i32
    %dma_wait3A_130 = arith.constant 0 : i32
    %dma_wait3A_131 = tpu.memref_slice %arg5[%dma_wait3A_129, %dma_wait3A_130] : memref<3392x96xi32, #tpu.memory_space<hbm>> -> memref<1x96xi32, #tpu.memory_space<hbm>>
    %dma_wait3A_132 = arith.constant 0 : i32
    %dma_wait3A_133 = arith.constant 0 : i32
    %dma_wait3A_134 = tpu.memref_slice %arg5[%dma_wait3A_132, %dma_wait3A_133] : memref<3392x96xi32, #tpu.memory_space<hbm>> -> memref<1x96xi32, #tpu.memory_space<hbm>>
    tpu.wait_dma2 semaphore(%arg18 : memref<!tpu.dma_semaphore, #tpu.memory_space<semaphore_mem>>) src(%dma_wait3A_134 : memref<1x96xi32, #tpu.memory_space<hbm>>) dst(%arg10 : memref<1x96xi32, #tpu.memory_space<vmem>>)
    %dma_wait3A_135 = arith.constant 0 : i32
    %dma_wait3A_136 = arith.constant 0 : i32
    %dma_wait3A_137 = tpu.memref_slice %arg11[%dma_wait3A_135, %dma_wait3A_136] : memref<1x96xi32, #tpu.memory_space<vmem>> -> memref<1x96xi32, #tpu.memory_space<vmem>>
    %dma_wait3A_138 = tpu.memref_squeeze %dma_wait3A_137 : memref<1x96xi32, #tpu.memory_space<vmem>> -> memref<96xi32, #tpu.memory_space<vmem>>
    %dma_wait3A_139 = arith.constant 0 : i32
    %dma_wait3A_140 = arith.constant 0 : i32
    %dma_wait3A_141 = tpu.memref_slice %arg7[%dma_wait3A_139, %dma_wait3A_140] : memref<10112x128xf32, #tpu.memory_space<vmem_shared>> -> memref<10112x128xf32, #tpu.memory_space<vmem_shared>>
    tpu.wait_indirect_dma semaphore(%arg25 : memref<!tpu.dma_semaphore, #tpu.memory_space<semaphore_mem>>) src(%arg13 : memref<96x128xf32, #tpu.memory_space<vmem>>) dst(%dma_wait3A_141 : memref<10112x128xf32, #tpu.memory_space<vmem_shared>>)
    %barrier3A_142 = arith.constant 0 : index
    tpu.barrier barrier_id(%barrier3A_142)
    %mul3A_143 = arith.constant 632 : i32
    %mul3A_144 = arith.muli %arg1, %mul3A_143 : i32
    %mul3A_145 = arith.constant 10112 : i32
    %mul3A_146 = arith.muli %arg0, %mul3A_145 : i32
    %mul3A_147 = arith.constant 632 : i32
    %mul3A_148 = arith.muli %arg1, %mul3A_147 : i32
    %add3A_149 = arith.addi %mul3A_146, %mul3A_148 : i32
    "tpu.region"() ({
      %run_scoped3A = tpu.sem_alloc : memref<!tpu.dma_semaphore, #tpu.memory_space<semaphore_mem>>
      %dma_start3A_150 = arith.constant 0 : i32
      %dma_start3A_151 = tpu.memref_slice %arg6[%add3A_149, %dma_start3A_150] : memref<20224x128xf32, #tpu.memory_space<hbm>> -> memref<632x128xf32, #tpu.memory_space<hbm>>
      %dma_start3A_152 = arith.constant 0 : i32
      %dma_start3A_153 = tpu.memref_slice %arg7[%mul3A_144, %dma_start3A_152] : memref<10112x128xf32, #tpu.memory_space<vmem_shared>> -> memref<632x128xf32, #tpu.memory_space<vmem_shared>>
      tpu.enqueue_dma source(%dma_start3A_153 : memref<632x128xf32, #tpu.memory_space<vmem_shared>>) target(%dma_start3A_151 : memref<632x128xf32, #tpu.memory_space<hbm>>) target_semaphore(%run_scoped3A : memref<!tpu.dma_semaphore, #tpu.memory_space<semaphore_mem>>)
      %dma_wait3A_154 = arith.constant 0 : i32
      %dma_wait3A_155 = tpu.memref_slice %arg6[%add3A_149, %dma_wait3A_154] : memref<20224x128xf32, #tpu.memory_space<hbm>> -> memref<632x128xf32, #tpu.memory_space<hbm>>
      %dma_wait3A_156 = arith.constant 0 : i32
      %dma_wait3A_157 = tpu.memref_slice %arg7[%mul3A_144, %dma_wait3A_156] : memref<10112x128xf32, #tpu.memory_space<vmem_shared>> -> memref<632x128xf32, #tpu.memory_space<vmem_shared>>
      tpu.wait_dma2 semaphore(%run_scoped3A : memref<!tpu.dma_semaphore, #tpu.memory_space<semaphore_mem>>) src(%dma_wait3A_157 : memref<632x128xf32, #tpu.memory_space<vmem_shared>>) dst(%dma_wait3A_155 : memref<632x128xf32, #tpu.memory_space<hbm>>)
      tpu.yield
    }) : () -> ()
    return
  }
}

module attributes {stable_mosaic.version = 14 : i64} {
  func.func @_mm_body(%arg0: i32, %arg1: memref<400x128xf32, #tpu.memory_space<vmem>>, %arg2: memref<128x128xf32, #tpu.memory_space<vmem>>, %arg3: memref<400x128xf32, #tpu.memory_space<vmem>>) attributes {dimension_semantics = [#tpu.dimension_semantics<arbitrary>], iteration_bounds = array<i64: 25>, scalar_prefetch = 0 : i64, scratch_operands = 0 : i64, tpu.core_type = #tpu.core_type<tc>, window_params = [{transform_indices = @transform_0, window_bounds = array<i64: 400, 128>}, {pipeline_mode = #tpu.pipeline_mode<synchronous>, transform_indices = @transform_1, window_bounds = array<i64: 128, 128>}, {transform_indices = @transform_2, window_bounds = array<i64: 400, 128>}]} {
    %get3A = arith.constant 0 : index
    %get3A_0 = arith.constant 0 : index
    %get3A_1 = vector.load %arg1[%get3A, %get3A_0] : memref<400x128xf32, #tpu.memory_space<vmem>>, vector<400x128xf32>
    %get3A_2 = arith.constant 0 : index
    %get3A_3 = arith.constant 0 : index
    %get3A_4 = vector.load %arg2[%get3A_2, %get3A_3] : memref<128x128xf32, #tpu.memory_space<vmem>>, vector<128x128xf32>
    %dot_general3A = arith.constant dense<0.000000e+00> : vector<400x128xf32>
    %dot_general3A_5 = tpu.matmul %get3A_1, %get3A_4, %dot_general3A {dimension_numbers = #tpu.dot_dimension_numbers<[1], [0], [0], [1], [0, 0, 1, 1], [], []>, transpose_lhs_hint = false} : vector<400x128xf32>, vector<128x128xf32>, vector<400x128xf32> -> vector<400x128xf32>
    %swap3A = arith.constant 0 : index
    %swap3A_6 = arith.constant 0 : index
    %swap3A_7 = vector.load %arg3[%swap3A, %swap3A_6] : memref<400x128xf32, #tpu.memory_space<vmem>>, vector<400x128xf32>
    tpu.vector_store %arg3[%swap3A, %swap3A_6], %dot_general3A_5 {strides = array<i32>} : memref<400x128xf32, #tpu.memory_space<vmem>>, vector<400x128xf32>,
    return
  }
  func.func @transform_0(%arg0: i32) -> (i32, i32) {
    %c0_i32 = arith.constant 0 : i32
    %c0_i32_0 = arith.constant 0 : i32
    return %arg0, %c0_i32 : i32, i32
  }
  func.func @transform_1(%arg0: i32) -> (i32, i32) {
    %c0_i32 = arith.constant 0 : i32
    %c0_i32_0 = arith.constant 0 : i32
    %c0_i32_1 = arith.constant 0 : i32
    return %c0_i32, %c0_i32_0 : i32, i32
  }
  func.func @transform_2(%arg0: i32) -> (i32, i32) {
    %c0_i32 = arith.constant 0 : i32
    %c0_i32_0 = arith.constant 0 : i32
    return %arg0, %c0_i32 : i32, i32
  }
}

module attributes {stable_mosaic.version = 14 : i64} {
  func.func @_mm_bias_body(%arg0: i32, %arg1: memref<2560x16xf32, #tpu.memory_space<vmem>>, %arg2: memref<16x128xf32, #tpu.memory_space<vmem>>, %arg3: memref<1x128xf32, #tpu.memory_space<vmem>>, %arg4: memref<2560x128xf32, #tpu.memory_space<vmem>>) attributes {dimension_semantics = [#tpu.dimension_semantics<arbitrary>], iteration_bounds = array<i64: 128>, scalar_prefetch = 0 : i64, scratch_operands = 0 : i64, tpu.core_type = #tpu.core_type<tc>, window_params = [{transform_indices = @transform_0, window_bounds = array<i64: 2560, 16>}, {pipeline_mode = #tpu.pipeline_mode<synchronous>, transform_indices = @transform_1, window_bounds = array<i64: 16, 128>}, {pipeline_mode = #tpu.pipeline_mode<synchronous>, transform_indices = @transform_2, window_bounds = array<i64: 1, 128>}, {transform_indices = @transform_3, window_bounds = array<i64: 2560, 128>}]} {
    %get3A = arith.constant 0 : index
    %get3A_0 = arith.constant 0 : index
    %get3A_1 = vector.load %arg1[%get3A, %get3A_0] : memref<2560x16xf32, #tpu.memory_space<vmem>>, vector<2560x16xf32>
    %get3A_2 = arith.constant 0 : index
    %get3A_3 = arith.constant 0 : index
    %get3A_4 = vector.load %arg2[%get3A_2, %get3A_3] : memref<16x128xf32, #tpu.memory_space<vmem>>, vector<16x128xf32>
    %dot_general3A = arith.constant dense<0.000000e+00> : vector<2560x128xf32>
    %dot_general3A_5 = tpu.matmul %get3A_1, %get3A_4, %dot_general3A {dimension_numbers = #tpu.dot_dimension_numbers<[1], [0], [0], [1], [0, 0, 1, 1], [], []>, transpose_lhs_hint = false} : vector<2560x16xf32>, vector<16x128xf32>, vector<2560x128xf32> -> vector<2560x128xf32>
    %get3A_6 = arith.constant 0 : index
    %get3A_7 = arith.constant 0 : index
    %get3A_8 = vector.load %arg3[%get3A_6, %get3A_7] : memref<1x128xf32, #tpu.memory_space<vmem>>, vector<1x128xf32>
    %add3A = vector.broadcast %get3A_8 : vector<1x128xf32> to vector<2560x128xf32>
    %add3A_9 = arith.addf %dot_general3A_5, %add3A : vector<2560x128xf32>
    %swap3A = arith.constant 0 : index
    %swap3A_10 = arith.constant 0 : index
    %swap3A_11 = vector.load %arg4[%swap3A, %swap3A_10] : memref<2560x128xf32, #tpu.memory_space<vmem>>, vector<2560x128xf32>
    tpu.vector_store %arg4[%swap3A, %swap3A_10], %add3A_9 {strides = array<i32>} : memref<2560x128xf32, #tpu.memory_space<vmem>>, vector<2560x128xf32>,
    return
  }
  func.func @transform_0(%arg0: i32) -> (i32, i32) {
    %min3A = arith.constant 124 : i32
    %min3A_0 = arith.minsi %arg0, %min3A : i32
    %c0_i32 = arith.constant 0 : i32
    %c0_i32_1 = arith.constant 0 : i32
    return %min3A_0, %c0_i32 : i32, i32
  }
  func.func @transform_1(%arg0: i32) -> (i32, i32) {
    %c0_i32 = arith.constant 0 : i32
    %c0_i32_0 = arith.constant 0 : i32
    %c0_i32_1 = arith.constant 0 : i32
    return %c0_i32, %c0_i32_0 : i32, i32
  }
  func.func @transform_2(%arg0: i32) -> (i32, i32) {
    %c0_i32 = arith.constant 0 : i32
    %c0_i32_0 = arith.constant 0 : i32
    %c0_i32_1 = arith.constant 0 : i32
    return %c0_i32, %c0_i32_0 : i32, i32
  }
  func.func @transform_3(%arg0: i32) -> (i32, i32) {
    %c0_i32 = arith.constant 0 : i32
    %c0_i32_0 = arith.constant 0 : i32
    return %arg0, %c0_i32 : i32, i32
  }
}

module attributes {stable_mosaic.version = 14 : i64} {
  func.func @_final_body(%arg0: i32, %arg1: memref<400x128xf32, #tpu.memory_space<vmem>>, %arg2: memref<1x400x128xf32, #tpu.memory_space<vmem>>, %arg3: memref<1x400x128xf32, #tpu.memory_space<vmem>>, %arg4: memref<128x128xf32, #tpu.memory_space<vmem>>, %arg5: memref<128x128xf32, #tpu.memory_space<vmem>>, %arg6: memref<1x128xf32, #tpu.memory_space<vmem>>, %arg7: memref<400x128xf32, #tpu.memory_space<vmem>>) attributes {dimension_semantics = [#tpu.dimension_semantics<arbitrary>], iteration_bounds = array<i64: 25>, scalar_prefetch = 0 : i64, scratch_operands = 0 : i64, tpu.core_type = #tpu.core_type<tc>, window_params = [{transform_indices = @transform_0, window_bounds = array<i64: 400, 128>}, {transform_indices = @transform_1, window_bounds = array<i64: 1, 400, 128>}, {transform_indices = @transform_2, window_bounds = array<i64: 1, 400, 128>}, {pipeline_mode = #tpu.pipeline_mode<synchronous>, transform_indices = @transform_3, window_bounds = array<i64: 128, 128>}, {pipeline_mode = #tpu.pipeline_mode<synchronous>, transform_indices = @transform_4, window_bounds = array<i64: 128, 128>}, {pipeline_mode = #tpu.pipeline_mode<synchronous>, transform_indices = @transform_5, window_bounds = array<i64: 1, 128>}, {transform_indices = @transform_6, window_bounds = array<i64: 400, 128>}]} {
    %get3A = arith.constant 0 : index
    %get3A_0 = arith.constant 0 : index
    %get3A_1 = arith.constant 0 : index
    %get3A_2 = vector.load %arg2[%get3A, %get3A_0, %get3A_1] : memref<1x400x128xf32, #tpu.memory_space<vmem>>, vector<1x400x128xf32>
    %get3A_3 = vector.shape_cast %get3A_2 : vector<1x400x128xf32> to vector<400x128xf32>
    %get3A_4 = arith.constant 0 : index
    %get3A_5 = arith.constant 0 : index
    %get3A_6 = arith.constant 0 : index
    %get3A_7 = vector.load %arg3[%get3A_4, %get3A_5, %get3A_6] : memref<1x400x128xf32, #tpu.memory_space<vmem>>, vector<1x400x128xf32>
    %get3A_8 = vector.shape_cast %get3A_7 : vector<1x400x128xf32> to vector<400x128xf32>
    %add3A = arith.addf %get3A_3, %get3A_8 : vector<400x128xf32>
    %get3A_9 = arith.constant 0 : index
    %get3A_10 = arith.constant 0 : index
    %get3A_11 = vector.load %arg1[%get3A_9, %get3A_10] : memref<400x128xf32, #tpu.memory_space<vmem>>, vector<400x128xf32>
    %get3A_12 = arith.constant 0 : index
    %get3A_13 = arith.constant 0 : index
    %get3A_14 = vector.load %arg4[%get3A_12, %get3A_13] : memref<128x128xf32, #tpu.memory_space<vmem>>, vector<128x128xf32>
    %dot_general3A = arith.constant dense<0.000000e+00> : vector<400x128xf32>
    %dot_general3A_15 = tpu.matmul %get3A_11, %get3A_14, %dot_general3A {dimension_numbers = #tpu.dot_dimension_numbers<[1], [0], [0], [1], [0, 0, 1, 1], [], []>, transpose_lhs_hint = false} : vector<400x128xf32>, vector<128x128xf32>, vector<400x128xf32> -> vector<400x128xf32>
    %get3A_16 = arith.constant 0 : index
    %get3A_17 = arith.constant 0 : index
    %get3A_18 = vector.load %arg5[%get3A_16, %get3A_17] : memref<128x128xf32, #tpu.memory_space<vmem>>, vector<128x128xf32>
    %dot_general3A_19 = arith.constant dense<0.000000e+00> : vector<400x128xf32>
    %dot_general3A_20 = tpu.matmul %add3A, %get3A_18, %dot_general3A_19 {dimension_numbers = #tpu.dot_dimension_numbers<[1], [0], [0], [1], [0, 0, 1, 1], [], []>, transpose_lhs_hint = false} : vector<400x128xf32>, vector<128x128xf32>, vector<400x128xf32> -> vector<400x128xf32>
    %add3A_21 = arith.addf %dot_general3A_15, %dot_general3A_20 : vector<400x128xf32>
    %get3A_22 = arith.constant 0 : index
    %get3A_23 = arith.constant 0 : index
    %get3A_24 = vector.load %arg6[%get3A_22, %get3A_23] : memref<1x128xf32, #tpu.memory_space<vmem>>, vector<1x128xf32>
    %add3A_25 = vector.broadcast %get3A_24 : vector<1x128xf32> to vector<400x128xf32>
    %add3A_26 = arith.addf %add3A_21, %add3A_25 : vector<400x128xf32>
    %max3A = arith.constant 0.000000e+00 : f32
    %max3A_27 = vector.broadcast %max3A : f32 to vector<400x128xf32>
    %max3A_28 = arith.maximumf %add3A_26, %max3A_27 : vector<400x128xf32>
    %swap3A = arith.constant 0 : index
    %swap3A_29 = arith.constant 0 : index
    %swap3A_30 = vector.load %arg7[%swap3A, %swap3A_29] : memref<400x128xf32, #tpu.memory_space<vmem>>, vector<400x128xf32>
    tpu.vector_store %arg7[%swap3A, %swap3A_29], %max3A_28 {strides = array<i32>} : memref<400x128xf32, #tpu.memory_space<vmem>>, vector<400x128xf32>,
    return
  }
  func.func @transform_0(%arg0: i32) -> (i32, i32) {
    %c0_i32 = arith.constant 0 : i32
    %c0_i32_0 = arith.constant 0 : i32
    return %arg0, %c0_i32 : i32, i32
  }
  func.func @transform_1(%arg0: i32) -> (i32, i32, i32) {
    %c0_i32 = arith.constant 0 : i32
    %c0_i32_0 = arith.constant 0 : i32
    %c0_i32_1 = arith.constant 0 : i32
    return %c0_i32, %arg0, %c0_i32_0 : i32, i32, i32
  }
  func.func @transform_2(%arg0: i32) -> (i32, i32, i32) {
    %c1_i32 = arith.constant 1 : i32
    %c0_i32 = arith.constant 0 : i32
    %c0_i32_0 = arith.constant 0 : i32
    return %c1_i32, %arg0, %c0_i32 : i32, i32, i32
  }
  func.func @transform_3(%arg0: i32) -> (i32, i32) {
    %c0_i32 = arith.constant 0 : i32
    %c0_i32_0 = arith.constant 0 : i32
    %c0_i32_1 = arith.constant 0 : i32
    return %c0_i32, %c0_i32_0 : i32, i32
  }
  func.func @transform_4(%arg0: i32) -> (i32, i32) {
    %c0_i32 = arith.constant 0 : i32
    %c0_i32_0 = arith.constant 0 : i32
    %c0_i32_1 = arith.constant 0 : i32
    return %c0_i32, %c0_i32_0 : i32, i32
  }
  func.func @transform_5(%arg0: i32) -> (i32, i32) {
    %c0_i32 = arith.constant 0 : i32
    %c0_i32_0 = arith.constant 0 : i32
    %c0_i32_1 = arith.constant 0 : i32
    return %c0_i32, %c0_i32_0 : i32, i32
  }
  func.func @transform_6(%arg0: i32) -> (i32, i32) {
    %c0_i32 = arith.constant 0 : i32
    %c0_i32_0 = arith.constant 0 : i32
    return %arg0, %c0_i32 : i32, i32
  }
}

</mosaic_0001>

<sc_bundles>
// kernel: kernel.6.cloned.1.call-start
scs
__scs_entry_jumppad:
0x0: {  	(pc) =	sbr.rel $0x88, $3  }
0x1: {  	(tag) =	ssettag $0x0;
	lr =	simm.s32 $0x1  }
0x2: {  	[smem:$0x3F99] =	sst lr;
	_ =	strace $0xD0000000  }
0x3: {  	_ = 	snop  }
0x4: {  	_ = 	snop  }
0x5: {  	_ = 	snop  }
0x6: {  	_ = 	snop  }
0x7: {  	_ = 	snop  }
__scs_overlays_trampoline_lowered:
0x8: {  	[smem:$0x3FA8] =	sst s0  }
0x9: {  	[smem:$0x3FA9] =	sst s1  }
0xa: {  	[smem:$0x3FAA] =	sst s2  }
0xb: {  	[smem:$0x3FAB] =	sst s3  }
0xc: {  	[smem:$0x3FAC] =	sst s4  }
0xd: {  	[smem:$0x3FAD] =	sst s5  }
0xe: {  	[smem:$0x3FAE] =	sst s6  }
0xf: {  	[smem:$0x3FAF] =	sst s7  }
0x10: {  	[smem:$0x3FB0] =	sst s8  }
0x11: {  	[smem:$0x3FB1] =	sst s9;
	s0 =	simm.s32 @!p0 $0x0  }
0x12: {  	s1 =	sld [smem:$0x3F97];
	s0 =	simm.s32 @p0 $0x1  }
0x13: {  	[smem:$0x3FB2] =	sst s0;
	s0 =	simm.s32 @!p1 $0x0  }
0x14: {  	s2 =	sld [smem:$0x3F96];
	s0 =	simm.s32 @p1 $0x1  }
0x15: {  	[smem:$0x3FB3] =	sst s0;
	s0 =	simm.s32 @!p2 $0x0  }
0x16: {  	s3 =	sld [smem:$0x3FDB];
	s0 =	simm.s32 @p2 $0x1  }
0x17: {  	s4 =	simm.s32 $0x1BF5;
	[smem:$0x3FB5] =	sst s0  }
0x18: {  	s0 =	sld [smem:$0x3F98];
	_ =	swait.ge [sflag:s4], $0x0  }
0x19: {  	s7 =	sld [smem:$0x3F99]  }
0x1a: {  	s8 =	sadd.s32 $0xFFFFE003, lr  }
0x1b: {  	s9 =	sadd.s32 $0xFFFFFEF7, lr;
	s5 =	simm.s32 $0xFFFFFFFF;
	p2 =	slt.u32 s8, $0xFFFFF086  }
0x1c: {  	p1 =	slt.u32 s9, $0xF7A;
	s5 =	simm.s32 @!p2 $0x0  }
0x1d: {  	s5 =	simm.s32 @p1 $0x1;
	p0 =	seq.s32 s7, s2  }
0x1e: {  	s7 =	smul.u32 @!p0 $0xF7A, s2;
	p2 =	seq.s32 @!p0 s5, $0x0  }
0x1f: {  	s9 =	smul.u32 $0xF7A, s1;
	s8 =	simm.s32 @!p0 $0x1BF5;
	p2 =	por !p2, p0  }
0x20: {  	[sflag:s8] =	ssyncset.s32 @!p0 $0xFFFFF086;
	s6 =	sadd.s32 @!p0 s3, s7;
	s7 =	simm.s32 @!p0 $0x108  }
0x21: {  	s3 =	sadd.s32 s3, s9;
	s6 =	sadd.s32 @!p0 $0x88, s6;
	s7 =	simm.s32 @p2 $0x1082  }
0x22: {  	[simem:s7], [sflag:s8] =	dma.local @!p0 [hbm:s6], $0xF7A  }
0x23: {  	s9 =	sor.u32 $0xD0000000, s2;
	s6 =	simm.s32 $0x108;
	_ =	swait.ge @!p0 [sflag:s8], $0x0  }
0x24: {  	s3 =	sadd.s32 $0x88, s3;
	s6 =	simm.s32 @!p1 $0x1082;
	[sflag:s4] =	ssyncset.s32 $0xFFFFF086  }
0x25: {  	[simem:s6], [sflag:s4] =	dma.local [hbm:s3], $0xF7A  }
0x26: {  	[smem:$0x3F99] =	sst s1;
	(tag) =	ssettag s2;
	_ =	strace s9  }
0x27: {  	s1 =	sld [smem:$0x3FA9]  }
0x28: {  	s2 =	sld [smem:$0x3FAA]  }
0x29: {  	s4 =	sld [smem:$0x3FAC]  }
0x2a: {  	p0 =	seq.s32 s5, $0x0;
	s5 =	sld [smem:$0x3FAD]  }
0x2b: {  	s6 =	sld [smem:$0x3FAE]  }
0x2c: {  	s7 =	sld [smem:$0x3FAF]  }
0x2d: {  	s3 =	simm.s32 $0x108;
	s8 =	sld [smem:$0x3FB0]  }
0x2e: {  	s3 =	simm.s32 @!p0 $0x1082;
	s9 =	sld [smem:$0x3FB1]  }
0x2f: {  	lr =	sadd.s32 s0, s3;
	s0 =	sld [smem:$0x3FA8]  }
0x30: {  	s3 =	sld [smem:$0x3FAB]  }
0x31: {  	[smem:$0x3FB4] =	sst s10  }
0x32: {  	s10 =	sld [smem:$0x3FB2];
	_ =	sdelay $0x3  }
0x33: {  	p0 =	seq.s32 s10, $0x1;
	s10 =	sld [smem:$0x3FB4];
	_ =	sdelay $0x3  }
0x34: {  	[smem:$0x3FB4] =	sst s10  }
0x35: {  	s10 =	sld [smem:$0x3FB3];
	_ =	sdelay $0x3  }
0x36: {  	p1 =	seq.s32 s10, $0x1;
	s10 =	sld [smem:$0x3FB4];
	_ =	sdelay $0x3  }
0x37: {  	[smem:$0x3FB4] =	sst s10  }
0x38: {  	s10 =	sld [smem:$0x3FB5]  }
0x39: {  	_ = 	snop;
	(pc) =	sbr.ind lr, $3  }
0x3a: {  	_ = 	snop  }
0x3b: {  	_ = 	snop  }
0x3c: {  	p2 =	seq.s32 s10, $0x1;
	s10 =	sld [smem:$0x3FB4]  }
0x3d: {  	_ =	shalt  }
0x3e: {  	_ =	shalt  }
0x3f: {  	_ =	shalt  }
0x40: {  	_ =	shalt  }
0x41: {  	_ =	shalt  }
0x42: {  	_ =	shalt  }
0x43: {  	_ =	shalt  }
0x44: {  	_ =	shalt  }
0x45: {  	_ =	shalt  }
0x46: {  	_ =	shalt  }
0x47: {  	_ =	shalt  }
0x48: {  	_ =	shalt  }
0x49: {  	_ =	shalt  }
0x4a: {  	_ =	shalt  }
0x4b: {  	_ =	shalt  }
0x4c: {  	_ =	shalt  }
0x4d: {  	_ =	shalt  }
0x4e: {  	_ =	shalt  }
0x4f: {  	_ =	shalt  }
0x50: {  	_ =	shalt  }
0x51: {  	_ =	shalt  }
0x52: {  	_ =	shalt  }
0x53: {  	_ =	shalt  }
0x54: {  	_ =	shalt  }
0x55: {  	_ =	shalt  }
0x56: {  	_ =	shalt  }
0x57: {  	_ =	shalt  }
0x58: {  	_ =	shalt  }
0x59: {  	_ =	shalt  }
0x5a: {  	_ =	shalt  }
0x5b: {  	_ =	shalt  }
0x5c: {  	_ =	shalt  }
0x5d: {  	_ =	shalt  }
0x5e: {  	_ =	shalt  }
0x5f: {  	_ =	shalt  }
0x60: {  	_ =	shalt  }
0x61: {  	_ =	shalt  }
0x62: {  	_ =	shalt  }
0x63: {  	_ =	shalt  }
0x64: {  	_ =	shalt  }
0x65: {  	_ =	shalt  }
0x66: {  	_ =	shalt  }
0x67: {  	_ =	shalt  }
0x68: {  	_ =	shalt  }
0x69: {  	_ =	shalt  }
0x6a: {  	_ =	shalt  }
0x6b: {  	_ =	shalt  }
0x6c: {  	_ =	shalt  }
0x6d: {  	_ =	shalt  }
0x6e: {  	_ =	shalt  }
0x6f: {  	_ =	shalt  }
0x70: {  	_ =	shalt  }
0x71: {  	_ =	shalt  }
0x72: {  	_ =	shalt  }
0x73: {  	_ =	shalt  }
0x74: {  	_ =	shalt  }
0x75: {  	_ =	shalt  }
0x76: {  	_ =	shalt  }
0x77: {  	_ =	shalt  }
0x78: {  	_ =	shalt  }
0x79: {  	_ =	shalt  }
0x7a: {  	_ =	shalt  }
0x7b: {  	_ =	shalt  }
0x7c: {  	_ =	shalt  }
0x7d: {  	_ =	shalt  }
0x7e: {  	_ =	shalt  }
0x7f: {  	_ =	shalt  }
0x80: {  	_ =	shalt  }
0x81: {  	_ =	shalt  }
0x82: {  	_ =	shalt  }
0x83: {  	_ =	shalt  }
0x84: {  	_ =	shalt  }
0x85: {  	_ =	shalt  }
0x86: {  	_ =	shalt  }
0x87: {  	_ =	shalt  }
.Lfunc_end0:
.L_simem_size_0:
called_computation_lowered:
.L_overlay_start_0:
0x88: {  	s2 =	sld [smem:$0x3FD9]  }
0x89: {  	s3 =	sld [smem:$0x3FFE];
	_ =	sdelay $0x1  }
0x8a: {  	s1 =	srdreg.scid  }
0x8b: {  	s0 =	sand.u32 $0x1, s1  }
0x8c: {  	s17 =	sshll.u32 s0, $0xA;
	s2 =	sadd.s32 s3, s2  }
0x8d: {  	s2 =	sadd.s32 s2, s17  }
0x8e: {  	[smem:$0x3FC0] =	sst s2  }
0x8f: {  	_ = 	snop  }
0x90: {  	s2 =	sld [smem:$0x3FD0];
	(tm) =	ssettm $0x1  }
0x91: {  	s18 =	sld [smem:$0x3FFB];
	_ =	sdelay $0x3  }
0x92: {  	_ =	strace s18  }
0x93: {  	s3 =	sld [smem:$0x3FFC];
	_ =	sdelay $0x3  }
0x94: {  	_ =	strace s3  }
0x95: {  	s3 =	sld [smem:$0x3FFD];
	_ =	sdelay $0x3  }
0x96: {  	_ =	strace s3  }
0x97: {  	_ =	strace $0x8FFFFFFF  }
0x98: {  	s19 =	sld [smem:$0x3FDB];
	_ =	sdelay $0x1  }
0x99: {  	s4 =	simm.s32 $_scs_section_size  }
0x9a: {  	s5 =	simm.s32 $_size__tile_overlayer_lowered;
	s6 =	simm.s32 $_tile_overlayer_lowered  }
0x9b: {  	s22 =	simm.s32 $0x1BFF;
	s21 =	sshll.u32 s6, $0x1;
	s3 =	sadd.s32 s4, s19  }
0x9c: {  	s7 =	simm.s32 $0x0;
	s20 =	sshll.u32 s5, $0x1;
	s5 =	sadd.s32 s21, s3  }
0x9d: {  	[timem:s7], [sflag:s22] =	dma.local [hbm:s5], s20  }
0x9e: {  	_ =	swait.ge [sflag:s22], s20  }
0x9f: {  	s4 =	ssub.s32 $0x0, s20;
	[sflag:s22] =	ssyncset.done $0x0  }
0xa0: {  	[sflag:s22] =	ssyncadd.s32 s4;
	_ =	sdelay $0x1  }
0xa1: {  	s23 =	simm.s32 $0x1B8B  }
0xa2: {  	_ =	swait.ge [sflag:s23], $0x1  }
0xa3: {  	[sflag:s23] =	ssyncset.done $0x0  }
0xa4: {  	s25 =	simm.s32 $0x1B8E;
	s24 =	sld [smem:$0x3FFE];
	[sflag:s23] =	ssyncadd.s32 $0xFFFFFFFF  }
0xa5: {  	s26 =	simm.s32 $execute0_lowered;
	[smem:$0x3FD2] =	sst s25  }
0xa6: {  	s5 =	sshll.u32 s26, $0x1;
	_ =	strace $0x80000046;
	[dreg:$0x1] =	wrdreg $0xFFFFFFFF  }
0xa7: {  	s28 =	simm.s32 $_size_execute0_lowered;
	s3 =	sadd.s32 s3, s5;
	[dreg:$0x0] =	wrdreg $0x0  }
0xa8: {  	s5 =	sshll.u32 s28, $0x1;
	[dreg:$0x2] =	wrdreg s3  }
0xa9: {  	[dreg:$0x3] =	wrdreg s5  }
0xaa: {  	[dreg:$0x4] =	wrdreg $0xC0  }
0xab: {  	_ =	task [dreg:s7], $0x5FFFF  }
0xac: {  	[dreg:$0x1] =	wrdreg $0xFFFFFFFF  }
0xad: {  	[dreg:$0x0] =	wrdreg $0x60  }
0xae: {  	[dreg:$0x2] =	wrdreg s2  }
0xaf: {  	[dreg:$0x3] =	wrdreg s24  }
0xb0: {  	[dreg:$0x4] =	wrdreg $0x0  }
0xb1: {  	[dreg:$0x5] =	wrdreg $0x9  }
0xb2: {  	_ =	task.clear_ibuf [dreg:s7], $0x6FFFF;
	_ =	strace $0x90000046  }
0xb3: {  	s29 =	simm.s32 $0x9;
	_ =	strace $0x80000048  }
0xb4: {  	_ =	swait.ge [sflag:s29], $0x1  }
0xb5: {  	[sflag:s29] =	ssyncadd.s32 $0xFFFFFFFF  }
0xb6: {  	_ =	strace $0x90000048  }
0xb7: {  	_ =	sfence  }
0xb8: {  	s30 =	sld [smem:$0x0];
	_ =	sdelay $0x2  }
0xb9: {  	s31 =	sshll.u32 s1, $0xD;
	s1 =	sshrl.u32 s1, $0x2  }
0xba: {  	s3 =	sand.u32 $0x4000, s31;
	s1 =	sadd.s32 s1, s30  }
0xbb: {  	s0 =	sor.u32 s3, s0;
	s1 =	sshll.u32 s1, $0x11  }
0xbc: {  	s0 =	sor.u32 s1, s0  }
0xbd: {  	s0 =	sadd.s32 $0x8F2B, s0  }
0xbe: {  	[sflag:s0] =	ssyncadd.remote.s32 $0x1  }
0xbf: {  	_ =	sfence.sel $0xFFFF  }
0xc0: {  	[dreg:$0x0] =	wrdreg $0xFFFFFFFF;
	(pc) =	sbr.abs _section_cstart, $3  }
0xc1: {  	[dreg:$0x1] =	wrdreg $0xFFFFFFFF  }
0xc2: {  	_ =	task.clear_ibuf [dreg:s7], $0x2FFFF;
	_ =	strace $0x9FFFFFFF  }
0xc3: {  	(tm) =	ssettm $0x7FFFFFFF  }
tec
execute0_lowered:
.L_overlay_start_1:
0x0: {  	(tag) =	ssettag $0x1  }
0x1: {  	s0 =	rddreg [dreg:$0x1]  }
0x2: {  	s13 =	rddreg [dreg:$0x2];
	s1 =	simm.s32 $0x0;
	s3 =	srdreg.scid  }
0x3: {  	s12 =	stileid.u32;
	s28 =	simm.s32 $0x13C80;
	s29 =	simm.s32 $0x13D00  }
0x4: {  	s30 =	simm.s32 $0x1;
	s31 =	simm.s32 $0x60;
	s4 =	smul.u32 $0x2780, s12  }
0x5: {  	[smem:$0x7FF] =	sst s1;
	s3 =	sand.u32 $0x1, s3;
	s10 =	smul.u32 $0x4F000, s12  }
0x6: {  	s5 =	sadd.s32 $0x4FDA00, s0;
	s6 =	sadd.s32 $0xE600, s0;
	s16 =	smul.u32 $0x44, s12  }
0x7: {  	s7 =	sadd.s32 $0x1200, s0;
	_ =	strace $0x80000047;
	s8 =	smul.u32 $0x27800, s3  }
0x8: {  	s9 =	ssub.s32 $0x2, s3;
	p0 =	seq.s32 s3, $0x0;
	s3 =	smul.u32 $0x90, s12  }
0x9: {  	s12 =	simm.s32 $0x16E00;
	s14 =	sshrl.u32 s9, $0x1;
	s17 =	sshrl.u32 s10, $0x2  }
0xa: {  	s10 =	simm.s32 $0x90;
	s4 =	sadd.s32 s4, s8;
	s15 =	ssub.s32 s9, s14  }
0xb: {  	s8 =	sadd.s32 $0x900, s16;
	s1 =	sadd.s32 s17, s13;
	s10 =	simm.s32 @!p0 $0x44  }
0xc: {  	s16 =	simm.s32 $0x3;
	s17 =	simm.s32 $0x6;
	s0 =	sadd.s32 s4, s0  }
0xd: {  	s8 =	smov.u32 @p0 s3;
	s2 =	sadd.s32 $0x3000, s1;
	[dreg:$0x4] =	wrdreg s1  }
0xe: {  	s18 =	sadd.s32 $0x6000, s1;
	s19 =	sadd.s32 $0x9000, s1;
	[dreg:$0x5] =	wrdreg s2  }
0xf: {  	s20 =	sadd.s32 $0xC000, s1;
	s11 =	sadd.s32 $0xF000, s1;
	[dreg:$0x6] =	wrdreg s18  }
0x10: {  	s23 =	sadd.s32 $0x12000, s1;
	s26 =	smax.u32 s15, $0x1;
	[dreg:$0x7] =	wrdreg s19  }
0x11: {  	s15 =	simm.s32 $0x7;
	s4 =	simm.s32 $0x0;
	[dreg:$0x8] =	wrdreg s20  }
0x12: {  	s3 =	sshll.u32 s8, $0x4;
	s22 =	smul.u32 $0x600, s8;
	[dreg:$0xa] =	wrdreg s11  }
0x13: {  	[dreg:$0xb] =	wrdreg s23;
	s20 =	sshrl.u32 s10, $0x1;
	s0 =	sadd.s32 $0x1BA00, s0  }
0x14: {  	[dreg:$0x10] =	wrdreg s26;
	s26 =	simm.s32 $0x13C00;
	s11 =	simm.s32 $0x2  }
0x15: {  	s18 =	simm.s32 $0x9;
	s19 =	simm.s32 $0x8;
	s23 =	simm.s32 $0x0  }
0x16: {  	s21 =	sadd.s32 s6, s3;
	s24 =	sadd.s32 s7, s3;
	[dreg:$0xf] =	wrdreg s0  }
0x17: {  	s3 =	simm.s32 $0x5;
	[dreg:$0x9] =	wrdreg s21;
	s2 =	sadd.s32 $0x10, s21  }
0x18: {  	[dreg:$0xd] =	wrdreg s24;
	s25 =	sadd.s32 s5, s22;
	s21 =	sadd.s32 $0xFFFFFFFF, s10  }
0x19: {  	s24 =	simm.s32 $0x13E00;
	s10 =	simm.s32 $0x13D80;
	[dreg:$0xc] =	wrdreg s2  }
0x1a: {  	v0 =	vimm.f32 $0.0e+00;
	s22 =	simm.s32 $0x4;
	[dreg:$0xe] =	wrdreg s25;
	s2 =	simm.s32 $0xB  }
.LBB2_1:
0x1b: {  	[dreg:$0x11] =	wrdreg s4;
	s0 =	simm.s32 $0x0;
	s4 =	simm.s32 $0x200  }
.LBB2_2:
0x1c: {  	p0 =	sne.s32 s4, $0xBE00;
	[tilespmem:s0+$0x13E70] =	vst v0  }
0x1d: {  	[tilespmem:s0+$0x13E00] =	vst v0  }
0x1e: {  	[tilespmem:s0+$0x13E10] =	vst v0  }
.Ltmp0:
0x1f: {  	[tilespmem:s0+$0x13E20] =	vst v0;
	(pc) =	sbr.rel @p0 .LBB2_2-.Ltmp0, $4  }
0x20: {  	[tilespmem:s0+$0x13E30] =	vst v0  }
0x21: {  	[tilespmem:s0+$0x13E40] =	vst v0  }
0x22: {  	[tilespmem:s0+$0x13E50] =	vst v0  }
0x23: {  	[tilespmem:s0+$0x13E60] =	vst v0;
	s0 =	sshra.s32 s4, $0x2;
	s4 =	sadd.s32 $0x200, s4  }
0x24: {  	[tilespmem:s0+$0x13E70] =	vst v0  }
0x25: {  	[tilespmem:s0+$0x13E00] =	vst v0  }
0x26: {  	[tilespmem:s0+$0x13E10] =	vst v0  }
0x27: {  	[tilespmem:s0+$0x13E20] =	vst v0  }
0x28: {  	[tilespmem:s0+$0x13E30] =	vst v0  }
0x29: {  	[tilespmem:s0+$0x13E40] =	vst v0  }
0x2a: {  	[tilespmem:s0+$0x13E50] =	vst v0  }
0x2b: {  	[tilespmem:s0+$0x13E60] =	vst v0  }
0x2c: {  	[spmem:s1] =	stream.linear.scatter [tilespmem:s24], [sflag:$0xB], $0x3000, $0x38;
	[tilespmem:$0x1FE00] =	vst v63  }
0x2d: {  	_ =	swait.ge [sflag:s2], $0x3000  }
0x2e: {  	[sflag:s2] =	ssyncset.done $0x0  }
0x2f: {  	s25 =	rddreg [dreg:$0x5];
	[sflag:s2] =	ssyncadd.s32 $0xFFFFD000  }
0x30: {  	[spmem:s25] =	stream.linear.scatter [tilespmem:s24], [sflag:$0xB], $0x3000, $0x38;
	[tilespmem:$0x1FE00] =	vst v63  }
0x31: {  	_ =	swait.ge [sflag:s2], $0x3000  }
0x32: {  	[sflag:s2] =	ssyncset.done $0x0  }
0x33: {  	s1 =	rddreg [dreg:$0x6];
	[sflag:s2] =	ssyncadd.s32 $0xFFFFD000  }
0x34: {  	[spmem:s1] =	stream.linear.scatter [tilespmem:s24], [sflag:$0xB], $0x3000, $0x38;
	[tilespmem:$0x1FE00] =	vst v63  }
0x35: {  	_ =	swait.ge [sflag:s2], $0x3000  }
0x36: {  	[sflag:s2] =	ssyncset.done $0x0  }
0x37: {  	s4 =	rddreg [dreg:$0x7];
	[sflag:s2] =	ssyncadd.s32 $0xFFFFD000  }
0x38: {  	[spmem:s4] =	stream.linear.scatter [tilespmem:s24], [sflag:$0xB], $0x3000, $0x38;
	[tilespmem:$0x1FE00] =	vst v63  }
0x39: {  	_ =	swait.ge [sflag:s2], $0x3000  }
0x3a: {  	[sflag:s2] =	ssyncset.done $0x0  }
0x3b: {  	s9 =	rddreg [dreg:$0x8];
	[sflag:s2] =	ssyncadd.s32 $0xFFFFD000  }
0x3c: {  	[spmem:s9] =	stream.linear.scatter [tilespmem:s24], [sflag:$0xB], $0x3000, $0x38;
	[tilespmem:$0x1FE00] =	vst v63  }
0x3d: {  	_ =	swait.ge [sflag:s2], $0x3000  }
0x3e: {  	[sflag:s2] =	ssyncset.done $0x0  }
0x3f: {  	s14 =	rddreg [dreg:$0xa];
	[sflag:s2] =	ssyncadd.s32 $0xFFFFD000  }
0x40: {  	[spmem:s14] =	stream.linear.scatter [tilespmem:s24], [sflag:$0xB], $0x3000, $0x38;
	[tilespmem:$0x1FE00] =	vst v63  }
0x41: {  	_ =	swait.ge [sflag:s2], $0x3000  }
0x42: {  	[sflag:s2] =	ssyncset.done $0x0  }
0x43: {  	s25 =	rddreg [dreg:$0xb];
	[sflag:s2] =	ssyncadd.s32 $0xFFFFD000  }
0x44: {  	[spmem:s25] =	stream.linear.scatter [tilespmem:s24], [sflag:$0xB], $0x1C00, $0x38;
	[tilespmem:$0x1FE00] =	vst v63  }
0x45: {  	_ =	swait.ge [sflag:s2], $0x1C00  }
0x46: {  	[sflag:s2] =	ssyncset.done $0x0  }
0x47: {  	[sflag:s2] =	ssyncadd.s32 $0xFFFFE400  }
0x48: {  	[bflag:$0x0] =	sbarrier.arrive $0xFFFF  }
0x49: {  	s1 =	rddreg [dreg:$0x9]  }
0x4a: {  	[tilespmem:s26], [sflag:$0x1] =	stream.linear.gather [hbm4b:s1+s23], $0x80, $0x38;
	[tilespmem:$0x1FE00] =	vst v63  }
0x4b: {  	s2 =	rddreg [dreg:$0xc]  }
0x4c: {  	[tilespmem:s28], [sflag:$0x2] =	stream.linear.gather [hbm4b:s2+s23], $0x80, $0x38;
	[tilespmem:$0x1FE00] =	vst v63  }
0x4d: {  	s4 =	rddreg [dreg:$0xd]  }
0x4e: {  	[tilespmem:s29], [sflag:$0x3] =	stream.linear.gather [hbm4b:s4+s23], $0x80, $0x38;
	[tilespmem:$0x1FE00] =	vst v63  }
0x4f: {  	_ =	swait.ge [sflag:s30], $0x80  }
0x50: {  	[sflag:s30] =	ssyncset.done $0x0  }
0x51: {  	[sflag:s30] =	ssyncadd.s32 $0xFFFFFF80  }
0x52: {  	s9 =	rddreg [dreg:$0x0]  }
0x53: {  	[tilespmem:s24], [sflag:$0x5] =	stream.indirect.gather [hbm4b:s9+s31], $0x80, s26, s31, $0xb8;
	[tilespmem:$0x1FE00] =	vst v63  }
0x54: {  	s25 =	simm.s32 $0x19E00;
	s14 =	rddreg [dreg:$0xe];
	s9 =	simm.s32 $0x0  }
0x55: {  	[tilespmem:s25], [sflag:$0x7] =	stream.linear.gather [hbm4b:s14+s23], $0x3000, $0x38;
	[tilespmem:$0x1FE00] =	vst v63  }
.LBB2_4:
0x56: {  	s4 =	sshll.u32 s9, $0x1  }
0x57: {  	s0 =	sadd.s32 $0x2, s4  }
0x58: {  	s1 =	smov.u32 s13;
	s13 =	smov.u32 s21;
	p0 =	slt.s32 s0, s21  }
0x59: {  	s13 =	smov.u32 @p0 s0  }
0x5a: {  	s14 =	sadd.s32 s8, s13  }
0x5b: {  	_ =	swait.ge [sflag:s3], $0x3000;
	s25 =	sshll.u32 s14, $0x4  }
0x5c: {  	[sflag:s3] =	ssyncset.done $0x0;
	s25 =	sand.u32 $0x1FFFFFF0, s25  }
0x5d: {  	s2 =	simm.s32 $0x0;
	[sflag:s3] =	ssyncadd.s32 $0xFFFFD000;
	s0 =	sadd.s32 s6, s25  }
0x5e: {  	[tilespmem:s26], [sflag:$0x1] =	stream.linear.gather [hbm4b:s0+s2], $0x80, $0x38;
	[tilespmem:$0x1FE00] =	vst v63  }
0x5f: {  	s0 =	sor.u32 $0x1, s4  }
0x60: {  	s13 =	smov.u32 s21;
	p0 =	slt.s32 s0, s21  }
0x61: {  	s13 =	smov.u32 @p0 s0;
	p0 =	seq.s32 s9, $0x0  }
0x62: {  	s0 =	simm.s32 @!p0 $0xA;
	s13 =	sadd.s32 s8, s13  }
0x63: {  	_ =	swait.ge @!p0 [sflag:s0], $0x3000;
	s2 =	sshll.u32 s13, $0x4  }
0x64: {  	[sflag:s0] =	ssyncset.done @!p0 $0x0;
	s2 =	sand.u32 $0x1FFFFFF0, s2  }
0x65: {  	[sflag:s0] =	ssyncadd.s32 @!p0 $0xFFFFD000;
	s2 =	sadd.s32 s7, s2  }
0x66: {  	[tilespmem:s10], [sflag:$0x4] =	stream.linear.gather [hbm4b:s2+s23], $0x80, $0x38;
	[tilespmem:$0x1FE00] =	vst v63  }
0x67: {  	_ =	swait.ge [sflag:s11], $0x80  }
0x68: {  	s0 =	smul.u32 $0x3000, s13;
	[sflag:s11] =	ssyncset.done $0x0  }
0x69: {  	[sflag:s11] =	ssyncadd.s32 $0xFFFFFF80  }
0x6a: {  	s0 =	sshrl.u32 s0, $0x3;
	s13 =	rddreg [dreg:$0x0]  }
0x6b: {  	[tilespmem:s12], [sflag:$0x6] =	stream.indirect.gather [hbm4b:s13+s31], $0x80, s28, s31, $0xb8;
	[tilespmem:$0x1FE00] =	vst v63  }
0x6c: {  	s0 =	sadd.s32 s5, s0;
	s13 =	simm.s32 $0x1CE00  }
0x6d: {  	[tilespmem:s13], [sflag:$0x8] =	stream.linear.gather [hbm4b:s0+s23], $0x3000, $0x38;
	[tilespmem:$0x1FE00] =	vst v63  }
0x6e: {  	_ =	swait.ge [sflag:s15], $0x3000  }
0x6f: {  	[sflag:s15] =	ssyncset.done $0x0  }
0x70: {  	s13 =	simm.s32 $0x0;
	[sflag:s15] =	ssyncadd.s32 $0xFFFFD000  }
0x71: {  	v7 =	vld [tilespmem:s13+$0x19E00]  }
0x72: {  	v12 =	vld [tilespmem:s13+$0x19E10]  }
0x73: {  	v6 =	vld [tilespmem:s13+$0x19E20]  }
0x74: {  	v5 =	vld [tilespmem:s13+$0x19E30]  }
0x75: {  	v4 =	vld [tilespmem:s13+$0x19E40]  }
0x76: {  	v3 =	vld [tilespmem:s13+$0x19E50]  }
0x77: {  	v2 =	vld [tilespmem:s13+$0x19E60]  }
0x78: {  	v1 =	vld [tilespmem:s13+$0x19E70]  }
0x79: {  	v13 =	vld [tilespmem:s13+$0x13E00]  }
0x7a: {  	v14 =	vld [tilespmem:s13+$0x13E10]  }
0x7b: {  	v11 =	vld [tilespmem:s13+$0x13E20]  }
0x7c: {  	v10 =	vld [tilespmem:s13+$0x13E30]  }
0x7d: {  	v9 =	vld [tilespmem:s13+$0x13E40]  }
0x7e: {  	v8 =	vld [tilespmem:s13+$0x13E50];
	v13 =	vadd.f32 v7, v13  }
0x7f: {  	s0 =	simm.s32 $0x200;
	v12 =	vadd.f32 v12, v14;
	v7 =	vld [tilespmem:s13+$0x13E60]  }
.LBB2_5:
0x80: {  	s2 =	sshra.s32 s0, $0x2;
	p0 =	sne.s32 s0, $0xBE00;
	v13 =	vmax.f32 v13, $0.0e+00;
	v6 =	vadd.f32 v6, v11;
	v11 =	vld [tilespmem:s13+$0x13E70]  }
0x81: {  	v14 =	vld [tilespmem:s2+$0x19E00];
	[tilespmem:s13+$0x13E00] =	vst v13;
	v12 =	vmax.f32 v12, $0.0e+00;
	v5 =	vadd.f32 v5, v10  }
0x82: {  	v15 =	vld [tilespmem:s2+$0x19E10];
	[tilespmem:s13+$0x13E10] =	vst v12;
	v10 =	vmax.f32 v6, $0.0e+00;
	v4 =	vadd.f32 v4, v9  }
0x83: {  	v6 =	vld [tilespmem:s2+$0x19E20];
	[tilespmem:s13+$0x13E20] =	vst v10;
	v9 =	vmax.f32 v5, $0.0e+00;
	v3 =	vadd.f32 v3, v8  }
0x84: {  	v5 =	vld [tilespmem:s2+$0x19E30];
	[tilespmem:s13+$0x13E30] =	vst v9;
	v8 =	vmax.f32 v4, $0.0e+00;
	v2 =	vadd.f32 v2, v7  }
0x85: {  	v4 =	vld [tilespmem:s2+$0x19E40];
	[tilespmem:s13+$0x13E40] =	vst v8;
	v7 =	vmax.f32 v3, $0.0e+00;
	v1 =	vadd.f32 v1, v11  }
0x86: {  	v3 =	vld [tilespmem:s2+$0x19E50];
	[tilespmem:s13+$0x13E50] =	vst v7;
	v7 =	vmax.f32 v2, $0.0e+00  }
0x87: {  	v2 =	vld [tilespmem:s2+$0x19E60];
	[tilespmem:s13+$0x13E60] =	vst v7;
	v7 =	vmax.f32 v1, $0.0e+00  }
0x88: {  	v1 =	vld [tilespmem:s2+$0x19E70];
	[tilespmem:s13+$0x13E70] =	vst v7;
	s13 =	smov.u32 s2  }
0x89: {  	v7 =	vld [tilespmem:s13+$0x13E00]  }
0x8a: {  	v12 =	vld [tilespmem:s13+$0x13E10]  }
.Ltmp1:
0x8b: {  	v11 =	vld [tilespmem:s13+$0x13E20];
	(pc) =	sbr.rel @p0 .LBB2_5-.Ltmp1, $4  }
0x8c: {  	v10 =	vld [tilespmem:s13+$0x13E30]  }
0x8d: {  	v9 =	vld [tilespmem:s13+$0x13E40]  }
0x8e: {  	v13 =	vadd.f32 v14, v7;
	v8 =	vld [tilespmem:s13+$0x13E50]  }
0x8f: {  	s0 =	sadd.s32 $0x200, s0;
	v12 =	vadd.f32 v15, v12;
	v7 =	vld [tilespmem:s13+$0x13E60]  }
0x90: {  	v13 =	vmax.f32 v13, $0.0e+00;
	v6 =	vadd.f32 v6, v11;
	v11 =	vld [tilespmem:s13+$0x13E70]  }
0x91: {  	[tilespmem:s13+$0x13E00] =	vst v13;
	v12 =	vmax.f32 v12, $0.0e+00;
	v5 =	vadd.f32 v5, v10  }
0x92: {  	[tilespmem:s13+$0x13E10] =	vst v12;
	v6 =	vmax.f32 v6, $0.0e+00;
	v4 =	vadd.f32 v4, v9  }
0x93: {  	[tilespmem:s13+$0x13E20] =	vst v6;
	v5 =	vmax.f32 v5, $0.0e+00;
	v3 =	vadd.f32 v3, v8  }
0x94: {  	[tilespmem:s13+$0x13E30] =	vst v5;
	v4 =	vmax.f32 v4, $0.0e+00;
	v2 =	vadd.f32 v2, v7  }
0x95: {  	[tilespmem:s13+$0x13E40] =	vst v4;
	v3 =	vmax.f32 v3, $0.0e+00;
	v1 =	vadd.f32 v1, v11  }
0x96: {  	[tilespmem:s13+$0x13E50] =	vst v3;
	v2 =	vmax.f32 v2, $0.0e+00  }
0x97: {  	[tilespmem:s13+$0x13E60] =	vst v2;
	v1 =	vmax.f32 v1, $0.0e+00  }
0x98: {  	s0 =	sadd.s32 $0x3, s4;
	[tilespmem:s13+$0x13E70] =	vst v1  }
0x99: {  	s2 =	smov.u32 s21;
	p0 =	slt.s32 s0, s21;
	_ =	swait.ge [sflag:s16], $0x80  }
0x9a: {  	s2 =	smov.u32 @p0 s0;
	[sflag:s16] =	ssyncset.done $0x0  }
0x9b: {  	s0 =	sadd.s32 s8, s2;
	[sflag:s16] =	ssyncadd.s32 $0xFFFFFF80  }
0x9c: {  	[spmem:s1] =	stream.indirect.scatter.add.f32 [tilespmem:s24], [sflag:$0x9], $0x80, s29, s31, $0xb8;
	[tilespmem:$0x1FE00] =	vst v63  }
0x9d: {  	s0 =	sshll.u32 s0, $0x4;
	_ =	swait.ge [sflag:s17], $0x3000  }
0x9e: {  	s0 =	sand.u32 $0x1FFFFFF0, s0;
	[sflag:s17] =	ssyncset.done $0x0  }
0x9f: {  	s2 =	simm.s32 $0x0;
	s0 =	sadd.s32 s6, s0;
	[sflag:s17] =	ssyncadd.s32 $0xFFFFD000  }
0xa0: {  	[tilespmem:s28], [sflag:$0x2] =	stream.linear.gather [hbm4b:s0+s2], $0x80, $0x38;
	[tilespmem:$0x1FE00] =	vst v63  }
0xa1: {  	_ =	swait.ge [sflag:s18], $0x3000  }
0xa2: {  	[sflag:s18] =	ssyncset.done $0x0  }
0xa3: {  	s13 =	smov.u32 s1;
	s1 =	sadd.s32 s7, s25;
	[sflag:s18] =	ssyncadd.s32 $0xFFFFD000  }
0xa4: {  	[tilespmem:s29], [sflag:$0x3] =	stream.linear.gather [hbm4b:s1+s2], $0x80, $0x38;
	[tilespmem:$0x1FE00] =	vst v63  }
0xa5: {  	_ =	swait.ge [sflag:s30], $0x80  }
0xa6: {  	s4 =	smul.u32 $0x3000, s14;
	[sflag:s30] =	ssyncset.done $0x0  }
0xa7: {  	[sflag:s30] =	ssyncadd.s32 $0xFFFFFF80  }
0xa8: {  	s0 =	sshrl.u32 s4, $0x3;
	s14 =	rddreg [dreg:$0x0]  }
0xa9: {  	[tilespmem:s24], [sflag:$0x5] =	stream.indirect.gather [hbm4b:s14+s31], $0x80, s26, s31, $0xb8;
	[tilespmem:$0x1FE00] =	vst v63  }
0xaa: {  	s25 =	simm.s32 $0x19E00;
	s0 =	sadd.s32 s5, s0  }
0xab: {  	[tilespmem:s25], [sflag:$0x7] =	stream.linear.gather [hbm4b:s0+s2], $0x3000, $0x38;
	[tilespmem:$0x1FE00] =	vst v63  }
0xac: {  	_ =	swait.ge [sflag:s19], $0x3000  }
0xad: {  	[sflag:s19] =	ssyncset.done $0x0  }
0xae: {  	s4 =	simm.s32 $0x0;
	[sflag:s19] =	ssyncadd.s32 $0xFFFFD000  }
0xaf: {  	v7 =	vld [tilespmem:s4+$0x1CE00]  }
0xb0: {  	v12 =	vld [tilespmem:s4+$0x1CE10]  }
0xb1: {  	v6 =	vld [tilespmem:s4+$0x1CE20]  }
0xb2: {  	v5 =	vld [tilespmem:s4+$0x1CE30]  }
0xb3: {  	v4 =	vld [tilespmem:s4+$0x1CE40]  }
0xb4: {  	v3 =	vld [tilespmem:s4+$0x1CE50]  }
0xb5: {  	v2 =	vld [tilespmem:s4+$0x1CE60]  }
0xb6: {  	v1 =	vld [tilespmem:s4+$0x1CE70]  }
0xb7: {  	v13 =	vld [tilespmem:s4+$0x16E00]  }
0xb8: {  	v14 =	vld [tilespmem:s4+$0x16E10]  }
0xb9: {  	v11 =	vld [tilespmem:s4+$0x16E20]  }
0xba: {  	v10 =	vld [tilespmem:s4+$0x16E30]  }
0xbb: {  	v9 =	vld [tilespmem:s4+$0x16E40]  }
0xbc: {  	v8 =	vld [tilespmem:s4+$0x16E50];
	v13 =	vadd.f32 v7, v13  }
0xbd: {  	s0 =	simm.s32 $0x200;
	v12 =	vadd.f32 v12, v14;
	v7 =	vld [tilespmem:s4+$0x16E60]  }
.LBB2_7:
0xbe: {  	s2 =	sshra.s32 s0, $0x2;
	p0 =	sne.s32 s0, $0xBE00;
	v13 =	vmax.f32 v13, $0.0e+00;
	v6 =	vadd.f32 v6, v11;
	v11 =	vld [tilespmem:s4+$0x16E70]  }
0xbf: {  	v14 =	vld [tilespmem:s2+$0x1CE00];
	[tilespmem:s4+$0x16E00] =	vst v13;
	v12 =	vmax.f32 v12, $0.0e+00;
	v5 =	vadd.f32 v5, v10  }
0xc0: {  	v15 =	vld [tilespmem:s2+$0x1CE10];
	[tilespmem:s4+$0x16E10] =	vst v12;
	v10 =	vmax.f32 v6, $0.0e+00;
	v4 =	vadd.f32 v4, v9  }
0xc1: {  	v6 =	vld [tilespmem:s2+$0x1CE20];
	[tilespmem:s4+$0x16E20] =	vst v10;
	v9 =	vmax.f32 v5, $0.0e+00;
	v3 =	vadd.f32 v3, v8  }
0xc2: {  	v5 =	vld [tilespmem:s2+$0x1CE30];
	[tilespmem:s4+$0x16E30] =	vst v9;
	v8 =	vmax.f32 v4, $0.0e+00;
	v2 =	vadd.f32 v2, v7  }
0xc3: {  	v4 =	vld [tilespmem:s2+$0x1CE40];
	[tilespmem:s4+$0x16E40] =	vst v8;
	v7 =	vmax.f32 v3, $0.0e+00;
	v1 =	vadd.f32 v1, v11  }
0xc4: {  	v3 =	vld [tilespmem:s2+$0x1CE50];
	[tilespmem:s4+$0x16E50] =	vst v7;
	v7 =	vmax.f32 v2, $0.0e+00  }
0xc5: {  	v2 =	vld [tilespmem:s2+$0x1CE60];
	[tilespmem:s4+$0x16E60] =	vst v7;
	v7 =	vmax.f32 v1, $0.0e+00  }
0xc6: {  	v1 =	vld [tilespmem:s2+$0x1CE70];
	[tilespmem:s4+$0x16E70] =	vst v7;
	s4 =	smov.u32 s2  }
0xc7: {  	v7 =	vld [tilespmem:s4+$0x16E00]  }
0xc8: {  	v12 =	vld [tilespmem:s4+$0x16E10]  }
.Ltmp2:
0xc9: {  	v11 =	vld [tilespmem:s4+$0x16E20];
	(pc) =	sbr.rel @p0 .LBB2_7-.Ltmp2, $4  }
0xca: {  	v10 =	vld [tilespmem:s4+$0x16E30]  }
0xcb: {  	v9 =	vld [tilespmem:s4+$0x16E40]  }
0xcc: {  	v13 =	vadd.f32 v14, v7;
	v8 =	vld [tilespmem:s4+$0x16E50]  }
0xcd: {  	s0 =	sadd.s32 $0x200, s0;
	v12 =	vadd.f32 v15, v12;
	v7 =	vld [tilespmem:s4+$0x16E60]  }
0xce: {  	v13 =	vmax.f32 v13, $0.0e+00;
	v6 =	vadd.f32 v6, v11;
	v63 =	vld [tilespmem:s4+$0x16E70]  }
0xcf: {  	[tilespmem:s4+$0x16E00] =	vst v13;
	v12 =	vmax.f32 v12, $0.0e+00;
	v5 =	vadd.f32 v5, v10  }
0xd0: {  	[tilespmem:s4+$0x16E10] =	vst v12;
	v6 =	vmax.f32 v6, $0.0e+00;
	v4 =	vadd.f32 v4, v9  }
0xd1: {  	[tilespmem:s4+$0x16E20] =	vst v6;
	v5 =	vmax.f32 v5, $0.0e+00;
	v3 =	vadd.f32 v3, v8  }
0xd2: {  	[tilespmem:s4+$0x16E30] =	vst v5;
	v4 =	vmax.f32 v4, $0.0e+00;
	v2 =	vadd.f32 v2, v7  }
0xd3: {  	[tilespmem:s4+$0x16E40] =	vst v4;
	v3 =	vmax.f32 v3, $0.0e+00;
	v1 =	vadd.f32 v1, v63  }
0xd4: {  	s9 =	sadd.s32 $0x1, s9;
	[tilespmem:s4+$0x16E50] =	vst v3;
	v2 =	vmax.f32 v2, $0.0e+00  }
0xd5: {  	p0 =	sne.s32 s9, s20;
	[tilespmem:s4+$0x16E60] =	vst v2;
	v1 =	vmax.f32 v1, $0.0e+00  }
.Ltmp3:
0xd6: {  	[tilespmem:s4+$0x16E70] =	vst v1;
	(pc) =	sbr.rel @p0 .LBB2_4-.Ltmp3, $4  }
0xd7: {  	_ =	swait.ge [sflag:s22], $0x80  }
0xd8: {  	[sflag:s22] =	ssyncset.done $0x0  }
0xd9: {  	[sflag:s22] =	ssyncadd.s32 $0xFFFFFF80  }
0xda: {  	[spmem:s13] =	stream.indirect.scatter.add.f32 [tilespmem:s12], [sflag:$0xA], $0x80, s10, s31, $0xb8;
	[tilespmem:$0x1FE00] =	vst v63  }
0xdb: {  	_ =	swait.ge [sflag:s3], $0x3000  }
0xdc: {  	[sflag:s3] =	ssyncset.done $0x0  }
0xdd: {  	[sflag:s3] =	ssyncadd.s32 $0xFFFFD000  }
0xde: {  	_ =	swait.ge [sflag:s15], $0x3000  }
0xdf: {  	[sflag:s15] =	ssyncset.done $0x0  }
0xe0: {  	[sflag:s15] =	ssyncadd.s32 $0xFFFFD000  }
0xe1: {  	_ =	swait.ge [sflag:s11], $0x80  }
0xe2: {  	[sflag:s11] =	ssyncset.done $0x0  }
0xe3: {  	[sflag:s11] =	ssyncadd.s32 $0xFFFFFF80  }
0xe4: {  	_ =	swait.ge [sflag:s16], $0x80  }
0xe5: {  	[sflag:s16] =	ssyncset.done $0x0  }
0xe6: {  	s0 =	simm.s32 $0xA;
	[sflag:s16] =	ssyncadd.s32 $0xFFFFFF80  }
0xe7: {  	_ =	swait.ge [sflag:s0], $0x3000  }
0xe8: {  	[sflag:s0] =	ssyncset.done $0x0  }
0xe9: {  	[sflag:s0] =	ssyncadd.s32 $0xFFFFD000  }
0xea: {  	s9 =	stileid.u32;
	[bflag:$0x0] =	sbarrier.arrive $0xFFFF  }
0xeb: {  	s0 =	sshll.u32 s9, $0x6;
	s1 =	rddreg [dreg:$0x4]  }
0xec: {  	s0 =	sor.u32 $0x1C0B, s0;
	s4 =	rddreg [dreg:$0xf];
	s2 =	sshrl.u32 s1, $0x3  }
0xed: {  	[hbm:s4], [sflag:s0] =	dma.local [spmem:s2], $0x2780  }
0xee: {  	s2 =	simm.s32 $0xB  }
0xef: {  	_ =	swait.ge [sflag:s2], $0x2780  }
0xf0: {  	s14 =	rddreg [dreg:$0x11]  }
0xf1: {  	s25 =	rddreg [dreg:$0x10];
	s4 =	sadd.s32 $0x1, s14  }
0xf2: {  	p0 =	sne.s32 s4, s25  }
.Ltmp4:
0xf3: {  	_ = 	snop;
	(pc) =	sbr.rel @p0 .LBB2_1-.Ltmp4, $3  }
0xf4: {  	_ =	sdelay $0x1  }
0xf5: {  	[sflag:s2] =	ssyncset.done $0x0  }
0xf6: {  	[sflag:s2] =	ssyncadd.s32 $0xFFFFD880  }
0xf7: {  	_ =	sfence.sel $0x180000  }
0xf8: {  	[bflag:$0x0] =	sbarrier.arrive $0xFFFF  }
0xf9: {  	_ =	strace $0x90000047  }
0xfa: {  	s0 =	stileid.u32;
	[bflag:$0x2] =	sbarrier.arrive $0xFFFF  }
0xfb: {  	p0 =	sne.s32 s0, $0x0;
	s0 =	rddreg [dreg:$0x3]  }
0xfc: {  	s0 =	sadd.s32 @!p0 $0x100000, s0  }
0xfd: {  	[sflag:s0] =	ssyncadd.tile.s32 @!p0 $0x1;
	_ =	shalt  }
.Lfunc_end2:
_tile_overlayer_lowered:
.L_overlay_start_2:
0xfe: {  	(tag) =	ssettag $0x2  }
0xff: {  	s0 =	rddreg [dreg:$0x0];
	s2 =	stileid.u32  }
0x100: {  	s1 =	rddreg [dreg:$0x1];
	p0 =	sne.s32 s2, $0x0  }
0x101: {  	s3 =	rddreg [dreg:$0x2];
	[bflag:$0x3] =	sbarrier.arrive $0xFFFF;
	s2 =	simm.s32 @!p0 $0x1C0B  }
0x102: {  	[timem:s3], [sflag:s2] =	dma.local @!p0 [hbm:s0], s1  }
0x103: {  	s0 =	simm.s32 @!p0 $0xB  }
0x104: {  	_ =	swait.ge @!p0 [sflag:s0], s1  }
0x105: {  	s1 =	ssub.s32 @!p0 $0x0, s1;
	[sflag:s0] =	ssyncset.done @!p0 $0x0  }
0x106: {  	[sflag:s0] =	ssyncadd.s32 @!p0 s1  }
0x107: {  	[bflag:$0x3] =	sbarrier.arrive $0xFFFF  }
0x108: {  	_ =	shalt  }

</sc_bundles>
